<compile_context>
chip_gen: v7x
topology: tpu7x:2x2x1
jax: 0.10.2.dev20260603
libtpu: 0.0.44.dev20260713+nightly
codegen_flags: <defaults>
</compile_context>

<pallas_src>
import functools

import jax
import jax.numpy as jnp
from jax import lax
from jax.experimental import pallas as pl
from jax.experimental.pallas import tpu as pltpu
from jax.experimental.pallas import tpu_sc as plsc

_VOCAB = 1000
_D = 128
_BATCH = 16384

_NC = 2
_NS = 16
_NW = _NC * _NS
_CH = 128
_ORPW = _BATCH // _NW
_NCH = _ORPW // _CH


def _proj_body(e_ref, w_ref, b_ref, o_ref):
    o_ref[...] = lax.dot_general(
        e_ref[...], w_ref[...],
        dimension_numbers=(((1,), (1,)), ((), ())),
        preferred_element_type=jnp.float32,
    ) + b_ref[...]


def _project_table(emb_weight, lin_w, lin_b):
    return pl.pallas_call(
        _proj_body,
        out_shape=jax.ShapeDtypeStruct((_VOCAB, _D), jnp.float32),
    )(emb_weight, lin_w, lin_b.reshape(1, _D))


_mesh = plsc.VectorSubcoreMesh(core_axis_name="c", subcore_axis_name="s")

_NB = 6
_AH = 4


@functools.partial(
    pl.kernel,
    out_type=jax.ShapeDtypeStruct((_BATCH, 2 * _D), jnp.float32),
    mesh=_mesh,
    scratch_types=[
        pltpu.VMEM((2 * _NCH, _CH), jnp.int32),
        pltpu.VMEM((_NB, _CH, _D), jnp.float32),
        pltpu.VMEM_SHARED((_VOCAB, _D), jnp.float32),
    ] + [pltpu.SemaphoreType.DMA((_NB,)), pltpu.SemaphoreType.DMA((_NB,))],
)
def _gather_rows(idx_hbm, table_hbm, out_hbm, idx_v, rows_v, table_sh,
                 gsem, wsem):
    gsems = [gsem.at[b] for b in range(_NB)]
    wsems = [wsem.at[b] for b in range(_NB)]
    wid = lax.axis_index("s") * _NC + lax.axis_index("c")
    base = wid * _ORPW
    nch = 2 * _NCH
    sid = lax.axis_index("s")
    rpt = 64
    off = pl.multiple_of(jnp.minimum(sid * rpt, _VOCAB - rpt), 8)
    tcp = pltpu.async_copy(
        table_hbm.at[pl.ds(off, rpt)], table_sh.at[pl.ds(off, rpt)],
        gsems[0])

    pltpu.sync_copy(idx_hbm.at[pl.ds(wid * nch, nch)], idx_v)
    tcp.wait()
    plsc.subcore_barrier()

    def out_slice(j):
        return out_hbm.at[pl.ds(base + (j // 2) * _CH, _CH),
                          pl.ds((j % 2) * _D, _D)]

    def gather(j):
        return pltpu.async_copy(
            table_sh.at[idx_v.at[j]], rows_v.at[j % _NB], gsems[j % _NB])

    g_cps = [None] * nch
    w_cps = [None] * nch
    for j in range(_AH):
        g_cps[j] = gather(j)
    for j in range(nch):
        g_cps[j].wait()
        w_cps[j] = pltpu.async_copy(rows_v.at[j % _NB], out_slice(j),
                                    wsems[j % _NB])
        k = j + _AH
        if k < nch:
            if k >= _NB:
                w_cps[k - _NB].wait()
            g_cps[k] = gather(k)
    for j in range(nch - _NB, nch):
        if j >= 0 and w_cps[j] is not None:
            w_cps[j].wait()


def kernel(bandwidth, emb_weight, lin_w, lin_b):
    table = _project_table(emb_weight, lin_w, lin_b)
    idx = (bandwidth.astype(jnp.int32)
           .reshape(_BATCH // _CH, _CH, 2)
           .transpose(0, 2, 1)
           .reshape(2 * _BATCH // _CH, _CH))
    return _gather_rows(idx, table)

# --- scband reference (transcript-rebuilt; emitter-appended) ---
"""Pipeline reference for scband-bandwidth-encoder-13735305413070 (READ-ONLY COPY).

The authoritative reference and input builder live on the scoring server;
editing this copy changes nothing except your own understanding.
"""

import jax, jax.numpy as jnp
import numpy as np

VOCAB = 1000
DIM = 128
BATCH = 16384

def setup_inputs(seed: int = 0) -> dict:
    key = jax.random.key(seed)
    k1, k2, k3, k4 = jax.random.split(key, 4)
    bandwidth = jax.random.randint(k1, (BATCH, 2), 0, VOCAB, dtype=jnp.int64 if jax.config.read('jax_enable_x64') else jnp.int32)
    emb_weight = jax.random.normal(k2, (VOCAB, DIM), dtype=jnp.float32) * (DIM ** -0.5)
    # torch Linear default init: U(-1/sqrt(fan_in), 1/sqrt(fan_in))
    bound = 1.0 / np.sqrt(DIM)
    lin_w = jax.random.uniform(k3, (DIM, DIM), minval=-bound, maxval=bound, dtype=jnp.float32)
    lin_b = jax.random.uniform(k4, (DIM,), minval=-bound, maxval=bound, dtype=jnp.float32)
    return {"bandwidth": bandwidth, "emb_weight": emb_weight, "lin_w": lin_w, "lin_b": lin_b}

def reference(bandwidth, emb_weight, lin_w, lin_b):
    lower = bandwidth[..., 0]
    higher = bandwidth[..., 1]
    lower_emb = jnp.take(emb_weight, lower, axis=0)
    higher_emb = jnp.take(emb_weight, higher, axis=0)
    # torch Linear: y = x @ W.T + b
    lower_out = lower_emb @ lin_w.T + lin_b
    higher_out = higher_emb @ lin_w.T + lin_b
    cutoff_emb = jnp.concatenate([lower_out, higher_out], axis=-1)
    return cutoff_emb

if __name__ == "__main__":
    import jax
    _d = setup_inputs()
    print(jax.jit(kernel)(*tuple(_d.values())))

</pallas_src>

<mosaic_0001>
#map = affine_map<(d0, d1) -> (0, 0)>
module attributes {stable_mosaic.version = 14 : i64} {
  func.func @_gather_rows(%arg0: i32, %arg1: i32, %arg2: memref<256x128xi32, #tpu.memory_space<hbm>>, %arg3: memref<1000x128xf32, #tpu.memory_space<hbm>>, %arg4: memref<16384x256xf32, #tpu.memory_space<hbm>>, %arg5: memref<8x128xi32, #tpu.memory_space<vmem>>, %arg6: memref<6x128x128xf32, #tpu.memory_space<vmem>>, %arg7: memref<1000x128xf32, #tpu.memory_space<vmem_shared>>, %arg8: memref<6x!tpu.dma_semaphore, #tpu.memory_space<semaphore_mem>>, %arg9: memref<6x!tpu.dma_semaphore, #tpu.memory_space<semaphore_mem>>) attributes {dimension_semantics = [#tpu.dimension_semantics<core_parallel>, #tpu.dimension_semantics<subcore_parallel>], iteration_bounds = array<i64: 2, 16>, scalar_prefetch = 0 : i64, scratch_operands = 5 : i64, tpu.core_type = #tpu.core_type<sc_vector_subcore>, window_params = [{transform_indices = #map}, {transform_indices = #map}, {transform_indices = #map}]} {
    %mul3A = arith.constant 2 : i32
    %mul3A_0 = arith.muli %arg1, %mul3A : i32
    %add3A = arith.addi %mul3A_0, %arg0 : i32
    %mul3A_1 = arith.constant 512 : i32
    %mul3A_2 = arith.muli %add3A, %mul3A_1 : i32
    %mul3A_3 = arith.constant 64 : i32
    %mul3A_4 = arith.muli %arg1, %mul3A_3 : i32
    %min3A = arith.constant 936 : i32
    %min3A_5 = arith.minsi %mul3A_4, %min3A : i32
    %multiple_of3A = tpu.assume_multiple %min3A_5, 8 : i32
    %dma_start3A = arith.constant 0 : i32
    %dma_start3A_6 = tpu.memref_slice %arg8[%dma_start3A] : memref<6x!tpu.dma_semaphore, #tpu.memory_space<semaphore_mem>> -> memref<1x!tpu.dma_semaphore, #tpu.memory_space<semaphore_mem>>
    %dma_start3A_7 = tpu.memref_squeeze %dma_start3A_6 : memref<1x!tpu.dma_semaphore, #tpu.memory_space<semaphore_mem>> -> memref<!tpu.dma_semaphore, #tpu.memory_space<semaphore_mem>>
    %dma_start3A_8 = arith.constant 0 : i32
    %dma_start3A_9 = tpu.memref_slice %arg7[%multiple_of3A, %dma_start3A_8] : memref<1000x128xf32, #tpu.memory_space<vmem_shared>> -> memref<64x128xf32, #tpu.memory_space<vmem_shared>>
    %dma_start3A_10 = arith.constant 0 : i32
    %dma_start3A_11 = tpu.memref_slice %arg3[%multiple_of3A, %dma_start3A_10] : memref<1000x128xf32, #tpu.memory_space<hbm>> -> memref<64x128xf32, #tpu.memory_space<hbm>>
    tpu.enqueue_dma source(%dma_start3A_11 : memref<64x128xf32, #tpu.memory_space<hbm>>) target(%dma_start3A_9 : memref<64x128xf32, #tpu.memory_space<vmem_shared>>) target_semaphore(%dma_start3A_7 : memref<!tpu.dma_semaphore, #tpu.memory_space<semaphore_mem>>)
    %mul3A_12 = arith.constant 8 : i32
    %mul3A_13 = arith.muli %add3A, %mul3A_12 : i32
    "tpu.region"() ({
      %run_scoped3A = tpu.sem_alloc : memref<!tpu.dma_semaphore, #tpu.memory_space<semaphore_mem>>
      %dma_start3A_532 = arith.constant 0 : i32
      %dma_start3A_533 = tpu.memref_slice %arg2[%mul3A_13, %dma_start3A_532] : memref<256x128xi32, #tpu.memory_space<hbm>> -> memref<8x128xi32, #tpu.memory_space<hbm>>
      %dma_start3A_534 = arith.constant 0 : i32
      %dma_start3A_535 = tpu.memref_slice %arg2[%mul3A_13, %dma_start3A_534] : memref<256x128xi32, #tpu.memory_space<hbm>> -> memref<8x128xi32, #tpu.memory_space<hbm>>
      tpu.enqueue_dma source(%dma_start3A_535 : memref<8x128xi32, #tpu.memory_space<hbm>>) target(%arg5 : memref<8x128xi32, #tpu.memory_space<vmem>>) target_semaphore(%run_scoped3A : memref<!tpu.dma_semaphore, #tpu.memory_space<semaphore_mem>>)
      %dma_wait3A_536 = arith.constant 0 : i32
      %dma_wait3A_537 = tpu.memref_slice %arg2[%mul3A_13, %dma_wait3A_536] : memref<256x128xi32, #tpu.memory_space<hbm>> -> memref<8x128xi32, #tpu.memory_space<hbm>>
      %dma_wait3A_538 = arith.constant 0 : i32
      %dma_wait3A_539 = tpu.memref_slice %arg2[%mul3A_13, %dma_wait3A_538] : memref<256x128xi32, #tpu.memory_space<hbm>> -> memref<8x128xi32, #tpu.memory_space<hbm>>
      tpu.wait_dma2 semaphore(%run_scoped3A : memref<!tpu.dma_semaphore, #tpu.memory_space<semaphore_mem>>) src(%dma_wait3A_539 : memref<8x128xi32, #tpu.memory_space<hbm>>) dst(%arg5 : memref<8x128xi32, #tpu.memory_space<vmem>>)
      tpu.yield
    }) : () -> ()
    %dma_wait3A = arith.constant 0 : i32
    %dma_wait3A_14 = tpu.memref_slice %arg8[%dma_wait3A] : memref<6x!tpu.dma_semaphore, #tpu.memory_space<semaphore_mem>> -> memref<1x!tpu.dma_semaphore, #tpu.memory_space<semaphore_mem>>
    %dma_wait3A_15 = tpu.memref_squeeze %dma_wait3A_14 : memref<1x!tpu.dma_semaphore, #tpu.memory_space<semaphore_mem>> -> memref<!tpu.dma_semaphore, #tpu.memory_space<semaphore_mem>>
    %dma_wait3A_16 = arith.constant 0 : i32
    %dma_wait3A_17 = tpu.memref_slice %arg7[%multiple_of3A, %dma_wait3A_16] : memref<1000x128xf32, #tpu.memory_space<vmem_shared>> -> memref<64x128xf32, #tpu.memory_space<vmem_shared>>
    %dma_wait3A_18 = arith.constant 0 : i32
    %dma_wait3A_19 = tpu.memref_slice %arg3[%multiple_of3A, %dma_wait3A_18] : memref<1000x128xf32, #tpu.memory_space<hbm>> -> memref<64x128xf32, #tpu.memory_space<hbm>>
    tpu.wait_dma2 semaphore(%dma_wait3A_15 : memref<!tpu.dma_semaphore, #tpu.memory_space<semaphore_mem>>) src(%dma_wait3A_19 : memref<64x128xf32, #tpu.memory_space<hbm>>) dst(%dma_wait3A_17 : memref<64x128xf32, #tpu.memory_space<vmem_shared>>)
    %barrier3A = arith.constant 0 : index
    tpu.barrier barrier_id(%barrier3A)
    %dma_start3A_20 = arith.constant 0 : i32
    %dma_start3A_21 = arith.constant 0 : i32
    %dma_start3A_22 = arith.constant 0 : i32
    %dma_start3A_23 = arith.constant 0 : i32
    %dma_start3A_24 = arith.constant 0 : i32
    %dma_start3A_25 = tpu.memref_slice %arg6[%dma_start3A_21, %dma_start3A_23, %dma_start3A_24] : memref<6x128x128xf32, #tpu.memory_space<vmem>> -> memref<1x128x128xf32, #tpu.memory_space<vmem>>
    %dma_start3A_26 = tpu.memref_squeeze %dma_start3A_25 : memref<1x128x128xf32, #tpu.memory_space<vmem>> -> memref<128x128xf32, #tpu.memory_space<vmem>>
    %dma_start3A_27 = arith.constant 0 : i32
    %dma_start3A_28 = tpu.memref_slice %arg5[%dma_start3A_20, %dma_start3A_27] : memref<8x128xi32, #tpu.memory_space<vmem>> -> memref<1x128xi32, #tpu.memory_space<vmem>>
    %dma_start3A_29 = tpu.memref_squeeze %dma_start3A_28 : memref<1x128xi32, #tpu.memory_space<vmem>> -> memref<128xi32, #tpu.memory_space<vmem>>
    %dma_start3A_30 = arith.constant 0 : i32
    %dma_start3A_31 = arith.constant 0 : i32
    %dma_start3A_32 = tpu.memref_slice %arg7[%dma_start3A_30, %dma_start3A_31] : memref<1000x128xf32, #tpu.memory_space<vmem_shared>> -> memref<1000x128xf32, #tpu.memory_space<vmem_shared>>
    %dma_start3A_33 = tpu.memref_slice %arg8[%dma_start3A_22] : memref<6x!tpu.dma_semaphore, #tpu.memory_space<semaphore_mem>> -> memref<1x!tpu.dma_semaphore, #tpu.memory_space<semaphore_mem>>
    %dma_start3A_34 = tpu.memref_squeeze %dma_start3A_33 : memref<1x!tpu.dma_semaphore, #tpu.memory_space<semaphore_mem>> -> memref<!tpu.dma_semaphore, #tpu.memory_space<semaphore_mem>>
    tpu.enqueue_indirect_dma source(%dma_start3A_32 : memref<1000x128xf32, #tpu.memory_space<vmem_shared>>) target(%dma_start3A_26 : memref<128x128xf32, #tpu.memory_space<vmem>>) offsets(%dma_start3A_29 : memref<128xi32, #tpu.memory_space<vmem>>) semaphore(%dma_start3A_34 : memref<!tpu.dma_semaphore, #tpu.memory_space<semaphore_mem>>)
    %dma_start3A_35 = arith.constant 1 : i32
    %dma_start3A_36 = arith.constant 1 : i32
    %dma_start3A_37 = arith.constant 1 : i32
    %dma_start3A_38 = arith.constant 0 : i32
    %dma_start3A_39 = arith.constant 0 : i32
    %dma_start3A_40 = tpu.memref_slice %arg6[%dma_start3A_36, %dma_start3A_38, %dma_start3A_39] : memref<6x128x128xf32, #tpu.memory_space<vmem>> -> memref<1x128x128xf32, #tpu.memory_space<vmem>>
    %dma_start3A_41 = tpu.memref_squeeze %dma_start3A_40 : memref<1x128x128xf32, #tpu.memory_space<vmem>> -> memref<128x128xf32, #tpu.memory_space<vmem>>
    %dma_start3A_42 = arith.constant 0 : i32
    %dma_start3A_43 = tpu.memref_slice %arg5[%dma_start3A_35, %dma_start3A_42] : memref<8x128xi32, #tpu.memory_space<vmem>> -> memref<1x128xi32, #tpu.memory_space<vmem>>
    %dma_start3A_44 = tpu.memref_squeeze %dma_start3A_43 : memref<1x128xi32, #tpu.memory_space<vmem>> -> memref<128xi32, #tpu.memory_space<vmem>>
    %dma_start3A_45 = arith.constant 0 : i32
    %dma_start3A_46 = arith.constant 0 : i32
    %dma_start3A_47 = tpu.memref_slice %arg7[%dma_start3A_45, %dma_start3A_46] : memref<1000x128xf32, #tpu.memory_space<vmem_shared>> -> memref<1000x128xf32, #tpu.memory_space<vmem_shared>>
    %dma_start3A_48 = tpu.memref_slice %arg8[%dma_start3A_37] : memref<6x!tpu.dma_semaphore, #tpu.memory_space<semaphore_mem>> -> memref<1x!tpu.dma_semaphore, #tpu.memory_space<semaphore_mem>>
    %dma_start3A_49 = tpu.memref_squeeze %dma_start3A_48 : memref<1x!tpu.dma_semaphore, #tpu.memory_space<semaphore_mem>> -> memref<!tpu.dma_semaphore, #tpu.memory_space<semaphore_mem>>
    tpu.enqueue_indirect_dma source(%dma_start3A_47 : memref<1000x128xf32, #tpu.memory_space<vmem_shared>>) target(%dma_start3A_41 : memref<128x128xf32, #tpu.memory_space<vmem>>) offsets(%dma_start3A_44 : memref<128xi32, #tpu.memory_space<vmem>>) semaphore(%dma_start3A_49 : memref<!tpu.dma_semaphore, #tpu.memory_space<semaphore_mem>>)
    %dma_start3A_50 = arith.constant 2 : i32
    %dma_start3A_51 = arith.constant 2 : i32
    %dma_start3A_52 = arith.constant 2 : i32
    %dma_start3A_53 = arith.constant 0 : i32
    %dma_start3A_54 = arith.constant 0 : i32
    %dma_start3A_55 = tpu.memref_slice %arg6[%dma_start3A_51, %dma_start3A_53, %dma_start3A_54] : memref<6x128x128xf32, #tpu.memory_space<vmem>> -> memref<1x128x128xf32, #tpu.memory_space<vmem>>
    %dma_start3A_56 = tpu.memref_squeeze %dma_start3A_55 : memref<1x128x128xf32, #tpu.memory_space<vmem>> -> memref<128x128xf32, #tpu.memory_space<vmem>>
    %dma_start3A_57 = arith.constant 0 : i32
    %dma_start3A_58 = tpu.memref_slice %arg5[%dma_start3A_50, %dma_start3A_57] : memref<8x128xi32, #tpu.memory_space<vmem>> -> memref<1x128xi32, #tpu.memory_space<vmem>>
    %dma_start3A_59 = tpu.memref_squeeze %dma_start3A_58 : memref<1x128xi32, #tpu.memory_space<vmem>> -> memref<128xi32, #tpu.memory_space<vmem>>
    %dma_start3A_60 = arith.constant 0 : i32
    %dma_start3A_61 = arith.constant 0 : i32
    %dma_start3A_62 = tpu.memref_slice %arg7[%dma_start3A_60, %dma_start3A_61] : memref<1000x128xf32, #tpu.memory_space<vmem_shared>> -> memref<1000x128xf32, #tpu.memory_space<vmem_shared>>
    %dma_start3A_63 = tpu.memref_slice %arg8[%dma_start3A_52] : memref<6x!tpu.dma_semaphore, #tpu.memory_space<semaphore_mem>> -> memref<1x!tpu.dma_semaphore, #tpu.memory_space<semaphore_mem>>
    %dma_start3A_64 = tpu.memref_squeeze %dma_start3A_63 : memref<1x!tpu.dma_semaphore, #tpu.memory_space<semaphore_mem>> -> memref<!tpu.dma_semaphore, #tpu.memory_space<semaphore_mem>>
    tpu.enqueue_indirect_dma source(%dma_start3A_62 : memref<1000x128xf32, #tpu.memory_space<vmem_shared>>) target(%dma_start3A_56 : memref<128x128xf32, #tpu.memory_space<vmem>>) offsets(%dma_start3A_59 : memref<128xi32, #tpu.memory_space<vmem>>) semaphore(%dma_start3A_64 : memref<!tpu.dma_semaphore, #tpu.memory_space<semaphore_mem>>)
    %dma_start3A_65 = arith.constant 3 : i32
    %dma_start3A_66 = arith.constant 3 : i32
    %dma_start3A_67 = arith.constant 3 : i32
    %dma_start3A_68 = arith.constant 0 : i32
    %dma_start3A_69 = arith.constant 0 : i32
    %dma_start3A_70 = tpu.memref_slice %arg6[%dma_start3A_66, %dma_start3A_68, %dma_start3A_69] : memref<6x128x128xf32, #tpu.memory_space<vmem>> -> memref<1x128x128xf32, #tpu.memory_space<vmem>>
    %dma_start3A_71 = tpu.memref_squeeze %dma_start3A_70 : memref<1x128x128xf32, #tpu.memory_space<vmem>> -> memref<128x128xf32, #tpu.memory_space<vmem>>
    %dma_start3A_72 = arith.constant 0 : i32
    %dma_start3A_73 = tpu.memref_slice %arg5[%dma_start3A_65, %dma_start3A_72] : memref<8x128xi32, #tpu.memory_space<vmem>> -> memref<1x128xi32, #tpu.memory_space<vmem>>
    %dma_start3A_74 = tpu.memref_squeeze %dma_start3A_73 : memref<1x128xi32, #tpu.memory_space<vmem>> -> memref<128xi32, #tpu.memory_space<vmem>>
    %dma_start3A_75 = arith.constant 0 : i32
    %dma_start3A_76 = arith.constant 0 : i32
    %dma_start3A_77 = tpu.memref_slice %arg7[%dma_start3A_75, %dma_start3A_76] : memref<1000x128xf32, #tpu.memory_space<vmem_shared>> -> memref<1000x128xf32, #tpu.memory_space<vmem_shared>>
    %dma_start3A_78 = tpu.memref_slice %arg8[%dma_start3A_67] : memref<6x!tpu.dma_semaphore, #tpu.memory_space<semaphore_mem>> -> memref<1x!tpu.dma_semaphore, #tpu.memory_space<semaphore_mem>>
    %dma_start3A_79 = tpu.memref_squeeze %dma_start3A_78 : memref<1x!tpu.dma_semaphore, #tpu.memory_space<semaphore_mem>> -> memref<!tpu.dma_semaphore, #tpu.memory_space<semaphore_mem>>
    tpu.enqueue_indirect_dma source(%dma_start3A_77 : memref<1000x128xf32, #tpu.memory_space<vmem_shared>>) target(%dma_start3A_71 : memref<128x128xf32, #tpu.memory_space<vmem>>) offsets(%dma_start3A_74 : memref<128xi32, #tpu.memory_space<vmem>>) semaphore(%dma_start3A_79 : memref<!tpu.dma_semaphore, #tpu.memory_space<semaphore_mem>>)
    %dma_wait3A_80 = arith.constant 0 : i32
    %dma_wait3A_81 = arith.constant 0 : i32
    %dma_wait3A_82 = arith.constant 0 : i32
    %dma_wait3A_83 = arith.constant 0 : i32
    %dma_wait3A_84 = arith.constant 0 : i32
    %dma_wait3A_85 = tpu.memref_slice %arg6[%dma_wait3A_81, %dma_wait3A_83, %dma_wait3A_84] : memref<6x128x128xf32, #tpu.memory_space<vmem>> -> memref<1x128x128xf32, #tpu.memory_space<vmem>>
    %dma_wait3A_86 = tpu.memref_squeeze %dma_wait3A_85 : memref<1x128x128xf32, #tpu.memory_space<vmem>> -> memref<128x128xf32, #tpu.memory_space<vmem>>
    %dma_wait3A_87 = arith.constant 0 : i32
    %dma_wait3A_88 = tpu.memref_slice %arg5[%dma_wait3A_80, %dma_wait3A_87] : memref<8x128xi32, #tpu.memory_space<vmem>> -> memref<1x128xi32, #tpu.memory_space<vmem>>
    %dma_wait3A_89 = tpu.memref_squeeze %dma_wait3A_88 : memref<1x128xi32, #tpu.memory_space<vmem>> -> memref<128xi32, #tpu.memory_space<vmem>>
    %dma_wait3A_90 = arith.constant 0 : i32
    %dma_wait3A_91 = arith.constant 0 : i32
    %dma_wait3A_92 = tpu.memref_slice %arg7[%dma_wait3A_90, %dma_wait3A_91] : memref<1000x128xf32, #tpu.memory_space<vmem_shared>> -> memref<1000x128xf32, #tpu.memory_space<vmem_shared>>
    %dma_wait3A_93 = tpu.memref_slice %arg8[%dma_wait3A_82] : memref<6x!tpu.dma_semaphore, #tpu.memory_space<semaphore_mem>> -> memref<1x!tpu.dma_semaphore, #tpu.memory_space<semaphore_mem>>
    %dma_wait3A_94 = tpu.memref_squeeze %dma_wait3A_93 : memref<1x!tpu.dma_semaphore, #tpu.memory_space<semaphore_mem>> -> memref<!tpu.dma_semaphore, #tpu.memory_space<semaphore_mem>>
    tpu.wait_indirect_dma semaphore(%dma_wait3A_94 : memref<!tpu.dma_semaphore, #tpu.memory_space<semaphore_mem>>) src(%dma_wait3A_92 : memref<1000x128xf32, #tpu.memory_space<vmem_shared>>) dst(%dma_wait3A_86 : memref<128x128xf32, #tpu.memory_space<vmem>>)
    %add3A_95 = arith.constant 0 : i32
    %add3A_96 = arith.addi %mul3A_2, %add3A_95 : i32
    %dma_start3A_97 = arith.constant 0 : i32
    %dma_start3A_98 = arith.constant 0 : i32
    %dma_start3A_99 = arith.constant 0 : i32
    %dma_start3A_100 = arith.constant 0 : i32
    %dma_start3A_101 = tpu.memref_slice %arg6[%dma_start3A_97, %dma_start3A_99, %dma_start3A_100] : memref<6x128x128xf32, #tpu.memory_space<vmem>> -> memref<1x128x128xf32, #tpu.memory_space<vmem>>
    %dma_start3A_102 = tpu.memref_squeeze %dma_start3A_101 : memref<1x128x128xf32, #tpu.memory_space<vmem>> -> memref<128x128xf32, #tpu.memory_space<vmem>>
    %dma_start3A_103 = arith.constant 0 : i32
    %dma_start3A_104 = tpu.memref_slice %arg4[%add3A_96, %dma_start3A_103] : memref<16384x256xf32, #tpu.memory_space<hbm>> -> memref<128x128xf32, #tpu.memory_space<hbm>>
    %dma_start3A_105 = tpu.memref_slice %arg9[%dma_start3A_98] : memref<6x!tpu.dma_semaphore, #tpu.memory_space<semaphore_mem>> -> memref<1x!tpu.dma_semaphore, #tpu.memory_space<semaphore_mem>>
    %dma_start3A_106 = tpu.memref_squeeze %dma_start3A_105 : memref<1x!tpu.dma_semaphore, #tpu.memory_space<semaphore_mem>> -> memref<!tpu.dma_semaphore, #tpu.memory_space<semaphore_mem>>
    %dma_start3A_107 = arith.constant 0 : i32
    %dma_start3A_108 = tpu.memref_slice %arg4[%add3A_96, %dma_start3A_107] : memref<16384x256xf32, #tpu.memory_space<hbm>> -> memref<128x128xf32, #tpu.memory_space<hbm>>
    %dma_start3A_109 = arith.constant 0 : i32
    %dma_start3A_110 = arith.constant 0 : i32
    %dma_start3A_111 = tpu.memref_slice %arg6[%dma_start3A_97, %dma_start3A_109, %dma_start3A_110] : memref<6x128x128xf32, #tpu.memory_space<vmem>> -> memref<1x128x128xf32, #tpu.memory_space<vmem>>
    %dma_start3A_112 = tpu.memref_squeeze %dma_start3A_111 : memref<1x128x128xf32, #tpu.memory_space<vmem>> -> memref<128x128xf32, #tpu.memory_space<vmem>>
    tpu.enqueue_dma source(%dma_start3A_112 : memref<128x128xf32, #tpu.memory_space<vmem>>) target(%dma_start3A_108 : memref<128x128xf32, #tpu.memory_space<hbm>>) target_semaphore(%dma_start3A_106 : memref<!tpu.dma_semaphore, #tpu.memory_space<semaphore_mem>>)
    %dma_start3A_113 = arith.constant 4 : i32
    %dma_start3A_114 = arith.constant 4 : i32
    %dma_start3A_115 = arith.constant 4 : i32
    %dma_start3A_116 = arith.constant 0 : i32
    %dma_start3A_117 = arith.constant 0 : i32
    %dma_start3A_118 = tpu.memref_slice %arg6[%dma_start3A_114, %dma_start3A_116, %dma_start3A_117] : memref<6x128x128xf32, #tpu.memory_space<vmem>> -> memref<1x128x128xf32, #tpu.memory_space<vmem>>
    %dma_start3A_119 = tpu.memref_squeeze %dma_start3A_118 : memref<1x128x128xf32, #tpu.memory_space<vmem>> -> memref<128x128xf32, #tpu.memory_space<vmem>>
    %dma_start3A_120 = arith.constant 0 : i32
    %dma_start3A_121 = tpu.memref_slice %arg5[%dma_start3A_113, %dma_start3A_120] : memref<8x128xi32, #tpu.memory_space<vmem>> -> memref<1x128xi32, #tpu.memory_space<vmem>>
    %dma_start3A_122 = tpu.memref_squeeze %dma_start3A_121 : memref<1x128xi32, #tpu.memory_space<vmem>> -> memref<128xi32, #tpu.memory_space<vmem>>
    %dma_start3A_123 = arith.constant 0 : i32
    %dma_start3A_124 = arith.constant 0 : i32
    %dma_start3A_125 = tpu.memref_slice %arg7[%dma_start3A_123, %dma_start3A_124] : memref<1000x128xf32, #tpu.memory_space<vmem_shared>> -> memref<1000x128xf32, #tpu.memory_space<vmem_shared>>
    %dma_start3A_126 = tpu.memref_slice %arg8[%dma_start3A_115] : memref<6x!tpu.dma_semaphore, #tpu.memory_space<semaphore_mem>> -> memref<1x!tpu.dma_semaphore, #tpu.memory_space<semaphore_mem>>
    %dma_start3A_127 = tpu.memref_squeeze %dma_start3A_126 : memref<1x!tpu.dma_semaphore, #tpu.memory_space<semaphore_mem>> -> memref<!tpu.dma_semaphore, #tpu.memory_space<semaphore_mem>>
    tpu.enqueue_indirect_dma source(%dma_start3A_125 : memref<1000x128xf32, #tpu.memory_space<vmem_shared>>) target(%dma_start3A_119 : memref<128x128xf32, #tpu.memory_space<vmem>>) offsets(%dma_start3A_122 : memref<128xi32, #tpu.memory_space<vmem>>) semaphore(%dma_start3A_127 : memref<!tpu.dma_semaphore, #tpu.memory_space<semaphore_mem>>)
    %dma_wait3A_128 = arith.constant 1 : i32
    %dma_wait3A_129 = arith.constant 1 : i32
    %dma_wait3A_130 = arith.constant 1 : i32
    %dma_wait3A_131 = arith.constant 0 : i32
    %dma_wait3A_132 = arith.constant 0 : i32
    %dma_wait3A_133 = tpu.memref_slice %arg6[%dma_wait3A_129, %dma_wait3A_131, %dma_wait3A_132] : memref<6x128x128xf32, #tpu.memory_space<vmem>> -> memref<1x128x128xf32, #tpu.memory_space<vmem>>
    %dma_wait3A_134 = tpu.memref_squeeze %dma_wait3A_133 : memref<1x128x128xf32, #tpu.memory_space<vmem>> -> memref<128x128xf32, #tpu.memory_space<vmem>>
    %dma_wait3A_135 = arith.constant 0 : i32
    %dma_wait3A_136 = tpu.memref_slice %arg5[%dma_wait3A_128, %dma_wait3A_135] : memref<8x128xi32, #tpu.memory_space<vmem>> -> memref<1x128xi32, #tpu.memory_space<vmem>>
    %dma_wait3A_137 = tpu.memref_squeeze %dma_wait3A_136 : memref<1x128xi32, #tpu.memory_space<vmem>> -> memref<128xi32, #tpu.memory_space<vmem>>
    %dma_wait3A_138 = arith.constant 0 : i32
    %dma_wait3A_139 = arith.constant 0 : i32
    %dma_wait3A_140 = tpu.memref_slice %arg7[%dma_wait3A_138, %dma_wait3A_139] : memref<1000x128xf32, #tpu.memory_space<vmem_shared>> -> memref<1000x128xf32, #tpu.memory_space<vmem_shared>>
    %dma_wait3A_141 = tpu.memref_slice %arg8[%dma_wait3A_130] : memref<6x!tpu.dma_semaphore, #tpu.memory_space<semaphore_mem>> -> memref<1x!tpu.dma_semaphore, #tpu.memory_space<semaphore_mem>>
    %dma_wait3A_142 = tpu.memref_squeeze %dma_wait3A_141 : memref<1x!tpu.dma_semaphore, #tpu.memory_space<semaphore_mem>> -> memref<!tpu.dma_semaphore, #tpu.memory_space<semaphore_mem>>
    tpu.wait_indirect_dma semaphore(%dma_wait3A_142 : memref<!tpu.dma_semaphore, #tpu.memory_space<semaphore_mem>>) src(%dma_wait3A_140 : memref<1000x128xf32, #tpu.memory_space<vmem_shared>>) dst(%dma_wait3A_134 : memref<128x128xf32, #tpu.memory_space<vmem>>)
    %add3A_143 = arith.constant 0 : i32
    %add3A_144 = arith.addi %mul3A_2, %add3A_143 : i32
    %dma_start3A_145 = arith.constant 1 : i32
    %dma_start3A_146 = arith.constant 1 : i32
    %dma_start3A_147 = arith.constant 0 : i32
    %dma_start3A_148 = arith.constant 0 : i32
    %dma_start3A_149 = tpu.memref_slice %arg6[%dma_start3A_145, %dma_start3A_147, %dma_start3A_148] : memref<6x128x128xf32, #tpu.memory_space<vmem>> -> memref<1x128x128xf32, #tpu.memory_space<vmem>>
    %dma_start3A_150 = tpu.memref_squeeze %dma_start3A_149 : memref<1x128x128xf32, #tpu.memory_space<vmem>> -> memref<128x128xf32, #tpu.memory_space<vmem>>
    %dma_start3A_151 = arith.constant 128 : i32
    %dma_start3A_152 = tpu.memref_slice %arg4[%add3A_144, %dma_start3A_151] : memref<16384x256xf32, #tpu.memory_space<hbm>> -> memref<128x128xf32, #tpu.memory_space<hbm>>
    %dma_start3A_153 = tpu.memref_slice %arg9[%dma_start3A_146] : memref<6x!tpu.dma_semaphore, #tpu.memory_space<semaphore_mem>> -> memref<1x!tpu.dma_semaphore, #tpu.memory_space<semaphore_mem>>
    %dma_start3A_154 = tpu.memref_squeeze %dma_start3A_153 : memref<1x!tpu.dma_semaphore, #tpu.memory_space<semaphore_mem>> -> memref<!tpu.dma_semaphore, #tpu.memory_space<semaphore_mem>>
    %dma_start3A_155 = arith.constant 128 : i32
    %dma_start3A_156 = tpu.memref_slice %arg4[%add3A_144, %dma_start3A_155] : memref<16384x256xf32, #tpu.memory_space<hbm>> -> memref<128x128xf32, #tpu.memory_space<hbm>>
    %dma_start3A_157 = arith.constant 0 : i32
    %dma_start3A_158 = arith.constant 0 : i32
    %dma_start3A_159 = tpu.memref_slice %arg6[%dma_start3A_145, %dma_start3A_157, %dma_start3A_158] : memref<6x128x128xf32, #tpu.memory_space<vmem>> -> memref<1x128x128xf32, #tpu.memory_space<vmem>>
    %dma_start3A_160 = tpu.memref_squeeze %dma_start3A_159 : memref<1x128x128xf32, #tpu.memory_space<vmem>> -> memref<128x128xf32, #tpu.memory_space<vmem>>
    tpu.enqueue_dma source(%dma_start3A_160 : memref<128x128xf32, #tpu.memory_space<vmem>>) target(%dma_start3A_156 : memref<128x128xf32, #tpu.memory_space<hbm>>) target_semaphore(%dma_start3A_154 : memref<!tpu.dma_semaphore, #tpu.memory_space<semaphore_mem>>)
    %dma_start3A_161 = arith.constant 5 : i32
    %dma_start3A_162 = arith.constant 5 : i32
    %dma_start3A_163 = arith.constant 5 : i32
    %dma_start3A_164 = arith.constant 0 : i32
    %dma_start3A_165 = arith.constant 0 : i32
    %dma_start3A_166 = tpu.memref_slice %arg6[%dma_start3A_162, %dma_start3A_164, %dma_start3A_165] : memref<6x128x128xf32, #tpu.memory_space<vmem>> -> memref<1x128x128xf32, #tpu.memory_space<vmem>>
    %dma_start3A_167 = tpu.memref_squeeze %dma_start3A_166 : memref<1x128x128xf32, #tpu.memory_space<vmem>> -> memref<128x128xf32, #tpu.memory_space<vmem>>
    %dma_start3A_168 = arith.constant 0 : i32
    %dma_start3A_169 = tpu.memref_slice %arg5[%dma_start3A_161, %dma_start3A_168] : memref<8x128xi32, #tpu.memory_space<vmem>> -> memref<1x128xi32, #tpu.memory_space<vmem>>
    %dma_start3A_170 = tpu.memref_squeeze %dma_start3A_169 : memref<1x128xi32, #tpu.memory_space<vmem>> -> memref<128xi32, #tpu.memory_space<vmem>>
    %dma_start3A_171 = arith.constant 0 : i32
    %dma_start3A_172 = arith.constant 0 : i32
    %dma_start3A_173 = tpu.memref_slice %arg7[%dma_start3A_171, %dma_start3A_172] : memref<1000x128xf32, #tpu.memory_space<vmem_shared>> -> memref<1000x128xf32, #tpu.memory_space<vmem_shared>>
    %dma_start3A_174 = tpu.memref_slice %arg8[%dma_start3A_163] : memref<6x!tpu.dma_semaphore, #tpu.memory_space<semaphore_mem>> -> memref<1x!tpu.dma_semaphore, #tpu.memory_space<semaphore_mem>>
    %dma_start3A_175 = tpu.memref_squeeze %dma_start3A_174 : memref<1x!tpu.dma_semaphore, #tpu.memory_space<semaphore_mem>> -> memref<!tpu.dma_semaphore, #tpu.memory_space<semaphore_mem>>
    tpu.enqueue_indirect_dma source(%dma_start3A_173 : memref<1000x128xf32, #tpu.memory_space<vmem_shared>>) target(%dma_start3A_167 : memref<128x128xf32, #tpu.memory_space<vmem>>) offsets(%dma_start3A_170 : memref<128xi32, #tpu.memory_space<vmem>>) semaphore(%dma_start3A_175 : memref<!tpu.dma_semaphore, #tpu.memory_space<semaphore_mem>>)
    %dma_wait3A_176 = arith.constant 2 : i32
    %dma_wait3A_177 = arith.constant 2 : i32
    %dma_wait3A_178 = arith.constant 2 : i32
    %dma_wait3A_179 = arith.constant 0 : i32
    %dma_wait3A_180 = arith.constant 0 : i32
    %dma_wait3A_181 = tpu.memref_slice %arg6[%dma_wait3A_177, %dma_wait3A_179, %dma_wait3A_180] : memref<6x128x128xf32, #tpu.memory_space<vmem>> -> memref<1x128x128xf32, #tpu.memory_space<vmem>>
    %dma_wait3A_182 = tpu.memref_squeeze %dma_wait3A_181 : memref<1x128x128xf32, #tpu.memory_space<vmem>> -> memref<128x128xf32, #tpu.memory_space<vmem>>
    %dma_wait3A_183 = arith.constant 0 : i32
    %dma_wait3A_184 = tpu.memref_slice %arg5[%dma_wait3A_176, %dma_wait3A_183] : memref<8x128xi32, #tpu.memory_space<vmem>> -> memref<1x128xi32, #tpu.memory_space<vmem>>
    %dma_wait3A_185 = tpu.memref_squeeze %dma_wait3A_184 : memref<1x128xi32, #tpu.memory_space<vmem>> -> memref<128xi32, #tpu.memory_space<vmem>>
    %dma_wait3A_186 = arith.constant 0 : i32
    %dma_wait3A_187 = arith.constant 0 : i32
    %dma_wait3A_188 = tpu.memref_slice %arg7[%dma_wait3A_186, %dma_wait3A_187] : memref<1000x128xf32, #tpu.memory_space<vmem_shared>> -> memref<1000x128xf32, #tpu.memory_space<vmem_shared>>
    %dma_wait3A_189 = tpu.memref_slice %arg8[%dma_wait3A_178] : memref<6x!tpu.dma_semaphore, #tpu.memory_space<semaphore_mem>> -> memref<1x!tpu.dma_semaphore, #tpu.memory_space<semaphore_mem>>
    %dma_wait3A_190 = tpu.memref_squeeze %dma_wait3A_189 : memref<1x!tpu.dma_semaphore, #tpu.memory_space<semaphore_mem>> -> memref<!tpu.dma_semaphore, #tpu.memory_space<semaphore_mem>>
    tpu.wait_indirect_dma semaphore(%dma_wait3A_190 : memref<!tpu.dma_semaphore, #tpu.memory_space<semaphore_mem>>) src(%dma_wait3A_188 : memref<1000x128xf32, #tpu.memory_space<vmem_shared>>) dst(%dma_wait3A_182 : memref<128x128xf32, #tpu.memory_space<vmem>>)
    %add3A_191 = arith.constant 128 : i32
    %add3A_192 = arith.addi %mul3A_2, %add3A_191 : i32
    %dma_start3A_193 = arith.constant 2 : i32
    %dma_start3A_194 = arith.constant 2 : i32
    %dma_start3A_195 = arith.constant 0 : i32
    %dma_start3A_196 = arith.constant 0 : i32
    %dma_start3A_197 = tpu.memref_slice %arg6[%dma_start3A_193, %dma_start3A_195, %dma_start3A_196] : memref<6x128x128xf32, #tpu.memory_space<vmem>> -> memref<1x128x128xf32, #tpu.memory_space<vmem>>
    %dma_start3A_198 = tpu.memref_squeeze %dma_start3A_197 : memref<1x128x128xf32, #tpu.memory_space<vmem>> -> memref<128x128xf32, #tpu.memory_space<vmem>>
    %dma_start3A_199 = arith.constant 0 : i32
    %dma_start3A_200 = tpu.memref_slice %arg4[%add3A_192, %dma_start3A_199] : memref<16384x256xf32, #tpu.memory_space<hbm>> -> memref<128x128xf32, #tpu.memory_space<hbm>>
    %dma_start3A_201 = tpu.memref_slice %arg9[%dma_start3A_194] : memref<6x!tpu.dma_semaphore, #tpu.memory_space<semaphore_mem>> -> memref<1x!tpu.dma_semaphore, #tpu.memory_space<semaphore_mem>>
    %dma_start3A_202 = tpu.memref_squeeze %dma_start3A_201 : memref<1x!tpu.dma_semaphore, #tpu.memory_space<semaphore_mem>> -> memref<!tpu.dma_semaphore, #tpu.memory_space<semaphore_mem>>
    %dma_start3A_203 = arith.constant 0 : i32
    %dma_start3A_204 = tpu.memref_slice %arg4[%add3A_192, %dma_start3A_203] : memref<16384x256xf32, #tpu.memory_space<hbm>> -> memref<128x128xf32, #tpu.memory_space<hbm>>
    %dma_start3A_205 = arith.constant 0 : i32
    %dma_start3A_206 = arith.constant 0 : i32
    %dma_start3A_207 = tpu.memref_slice %arg6[%dma_start3A_193, %dma_start3A_205, %dma_start3A_206] : memref<6x128x128xf32, #tpu.memory_space<vmem>> -> memref<1x128x128xf32, #tpu.memory_space<vmem>>
    %dma_start3A_208 = tpu.memref_squeeze %dma_start3A_207 : memref<1x128x128xf32, #tpu.memory_space<vmem>> -> memref<128x128xf32, #tpu.memory_space<vmem>>
    tpu.enqueue_dma source(%dma_start3A_208 : memref<128x128xf32, #tpu.memory_space<vmem>>) target(%dma_start3A_204 : memref<128x128xf32, #tpu.memory_space<hbm>>) target_semaphore(%dma_start3A_202 : memref<!tpu.dma_semaphore, #tpu.memory_space<semaphore_mem>>)
    %dma_wait3A_209 = arith.constant 0 : i32
    %dma_wait3A_210 = arith.constant 0 : i32
    %dma_wait3A_211 = arith.constant 0 : i32
    %dma_wait3A_212 = arith.constant 0 : i32
    %dma_wait3A_213 = tpu.memref_slice %arg6[%dma_wait3A_209, %dma_wait3A_211, %dma_wait3A_212] : memref<6x128x128xf32, #tpu.memory_space<vmem>> -> memref<1x128x128xf32, #tpu.memory_space<vmem>>
    %dma_wait3A_214 = tpu.memref_squeeze %dma_wait3A_213 : memref<1x128x128xf32, #tpu.memory_space<vmem>> -> memref<128x128xf32, #tpu.memory_space<vmem>>
    %dma_wait3A_215 = arith.constant 0 : i32
    %dma_wait3A_216 = tpu.memref_slice %arg4[%add3A_96, %dma_wait3A_215] : memref<16384x256xf32, #tpu.memory_space<hbm>> -> memref<128x128xf32, #tpu.memory_space<hbm>>
    %dma_wait3A_217 = tpu.memref_slice %arg9[%dma_wait3A_210] : memref<6x!tpu.dma_semaphore, #tpu.memory_space<semaphore_mem>> -> memref<1x!tpu.dma_semaphore, #tpu.memory_space<semaphore_mem>>
    %dma_wait3A_218 = tpu.memref_squeeze %dma_wait3A_217 : memref<1x!tpu.dma_semaphore, #tpu.memory_space<semaphore_mem>> -> memref<!tpu.dma_semaphore, #tpu.memory_space<semaphore_mem>>
    %dma_wait3A_219 = arith.constant 0 : i32
    %dma_wait3A_220 = tpu.memref_slice %arg4[%add3A_96, %dma_wait3A_219] : memref<16384x256xf32, #tpu.memory_space<hbm>> -> memref<128x128xf32, #tpu.memory_space<hbm>>
    %dma_wait3A_221 = arith.constant 0 : i32
    %dma_wait3A_222 = arith.constant 0 : i32
    %dma_wait3A_223 = tpu.memref_slice %arg6[%dma_wait3A_209, %dma_wait3A_221, %dma_wait3A_222] : memref<6x128x128xf32, #tpu.memory_space<vmem>> -> memref<1x128x128xf32, #tpu.memory_space<vmem>>
    %dma_wait3A_224 = tpu.memref_squeeze %dma_wait3A_223 : memref<1x128x128xf32, #tpu.memory_space<vmem>> -> memref<128x128xf32, #tpu.memory_space<vmem>>
    tpu.wait_dma2 semaphore(%dma_wait3A_218 : memref<!tpu.dma_semaphore, #tpu.memory_space<semaphore_mem>>) src(%dma_wait3A_224 : memref<128x128xf32, #tpu.memory_space<vmem>>) dst(%dma_wait3A_220 : memref<128x128xf32, #tpu.memory_space<hbm>>)
    %dma_start3A_225 = arith.constant 6 : i32
    %dma_start3A_226 = arith.constant 0 : i32
    %dma_start3A_227 = arith.constant 0 : i32
    %dma_start3A_228 = arith.constant 0 : i32
    %dma_start3A_229 = arith.constant 0 : i32
    %dma_start3A_230 = tpu.memref_slice %arg6[%dma_start3A_226, %dma_start3A_228, %dma_start3A_229] : memref<6x128x128xf32, #tpu.memory_space<vmem>> -> memref<1x128x128xf32, #tpu.memory_space<vmem>>
    %dma_start3A_231 = tpu.memref_squeeze %dma_start3A_230 : memref<1x128x128xf32, #tpu.memory_space<vmem>> -> memref<128x128xf32, #tpu.memory_space<vmem>>
    %dma_start3A_232 = arith.constant 0 : i32
    %dma_start3A_233 = tpu.memref_slice %arg5[%dma_start3A_225, %dma_start3A_232] : memref<8x128xi32, #tpu.memory_space<vmem>> -> memref<1x128xi32, #tpu.memory_space<vmem>>
    %dma_start3A_234 = tpu.memref_squeeze %dma_start3A_233 : memref<1x128xi32, #tpu.memory_space<vmem>> -> memref<128xi32, #tpu.memory_space<vmem>>
    %dma_start3A_235 = arith.constant 0 : i32
    %dma_start3A_236 = arith.constant 0 : i32
    %dma_start3A_237 = tpu.memref_slice %arg7[%dma_start3A_235, %dma_start3A_236] : memref<1000x128xf32, #tpu.memory_space<vmem_shared>> -> memref<1000x128xf32, #tpu.memory_space<vmem_shared>>
    %dma_start3A_238 = tpu.memref_slice %arg8[%dma_start3A_227] : memref<6x!tpu.dma_semaphore, #tpu.memory_space<semaphore_mem>> -> memref<1x!tpu.dma_semaphore, #tpu.memory_space<semaphore_mem>>
    %dma_start3A_239 = tpu.memref_squeeze %dma_start3A_238 : memref<1x!tpu.dma_semaphore, #tpu.memory_space<semaphore_mem>> -> memref<!tpu.dma_semaphore, #tpu.memory_space<semaphore_mem>>
    tpu.enqueue_indirect_dma source(%dma_start3A_237 : memref<1000x128xf32, #tpu.memory_space<vmem_shared>>) target(%dma_start3A_231 : memref<128x128xf32, #tpu.memory_space<vmem>>) offsets(%dma_start3A_234 : memref<128xi32, #tpu.memory_space<vmem>>) semaphore(%dma_start3A_239 : memref<!tpu.dma_semaphore, #tpu.memory_space<semaphore_mem>>)
    %dma_wait3A_240 = arith.constant 3 : i32
    %dma_wait3A_241 = arith.constant 3 : i32
    %dma_wait3A_242 = arith.constant 3 : i32
    %dma_wait3A_243 = arith.constant 0 : i32
    %dma_wait3A_244 = arith.constant 0 : i32
    %dma_wait3A_245 = tpu.memref_slice %arg6[%dma_wait3A_241, %dma_wait3A_243, %dma_wait3A_244] : memref<6x128x128xf32, #tpu.memory_space<vmem>> -> memref<1x128x128xf32, #tpu.memory_space<vmem>>
    %dma_wait3A_246 = tpu.memref_squeeze %dma_wait3A_245 : memref<1x128x128xf32, #tpu.memory_space<vmem>> -> memref<128x128xf32, #tpu.memory_space<vmem>>
    %dma_wait3A_247 = arith.constant 0 : i32
    %dma_wait3A_248 = tpu.memref_slice %arg5[%dma_wait3A_240, %dma_wait3A_247] : memref<8x128xi32, #tpu.memory_space<vmem>> -> memref<1x128xi32, #tpu.memory_space<vmem>>
    %dma_wait3A_249 = tpu.memref_squeeze %dma_wait3A_248 : memref<1x128xi32, #tpu.memory_space<vmem>> -> memref<128xi32, #tpu.memory_space<vmem>>
    %dma_wait3A_250 = arith.constant 0 : i32
    %dma_wait3A_251 = arith.constant 0 : i32
    %dma_wait3A_252 = tpu.memref_slice %arg7[%dma_wait3A_250, %dma_wait3A_251] : memref<1000x128xf32, #tpu.memory_space<vmem_shared>> -> memref<1000x128xf32, #tpu.memory_space<vmem_shared>>
    %dma_wait3A_253 = tpu.memref_slice %arg8[%dma_wait3A_242] : memref<6x!tpu.dma_semaphore, #tpu.memory_space<semaphore_mem>> -> memref<1x!tpu.dma_semaphore, #tpu.memory_space<semaphore_mem>>
    %dma_wait3A_254 = tpu.memref_squeeze %dma_wait3A_253 : memref<1x!tpu.dma_semaphore, #tpu.memory_space<semaphore_mem>> -> memref<!tpu.dma_semaphore, #tpu.memory_space<semaphore_mem>>
    tpu.wait_indirect_dma semaphore(%dma_wait3A_254 : memref<!tpu.dma_semaphore, #tpu.memory_space<semaphore_mem>>) src(%dma_wait3A_252 : memref<1000x128xf32, #tpu.memory_space<vmem_shared>>) dst(%dma_wait3A_246 : memref<128x128xf32, #tpu.memory_space<vmem>>)
    %add3A_255 = arith.constant 128 : i32
    %add3A_256 = arith.addi %mul3A_2, %add3A_255 : i32
    %dma_start3A_257 = arith.constant 3 : i32
    %dma_start3A_258 = arith.constant 3 : i32
    %dma_start3A_259 = arith.constant 0 : i32
    %dma_start3A_260 = arith.constant 0 : i32
    %dma_start3A_261 = tpu.memref_slice %arg6[%dma_start3A_257, %dma_start3A_259, %dma_start3A_260] : memref<6x128x128xf32, #tpu.memory_space<vmem>> -> memref<1x128x128xf32, #tpu.memory_space<vmem>>
    %dma_start3A_262 = tpu.memref_squeeze %dma_start3A_261 : memref<1x128x128xf32, #tpu.memory_space<vmem>> -> memref<128x128xf32, #tpu.memory_space<vmem>>
    %dma_start3A_263 = arith.constant 128 : i32
    %dma_start3A_264 = tpu.memref_slice %arg4[%add3A_256, %dma_start3A_263] : memref<16384x256xf32, #tpu.memory_space<hbm>> -> memref<128x128xf32, #tpu.memory_space<hbm>>
    %dma_start3A_265 = tpu.memref_slice %arg9[%dma_start3A_258] : memref<6x!tpu.dma_semaphore, #tpu.memory_space<semaphore_mem>> -> memref<1x!tpu.dma_semaphore, #tpu.memory_space<semaphore_mem>>
    %dma_start3A_266 = tpu.memref_squeeze %dma_start3A_265 : memref<1x!tpu.dma_semaphore, #tpu.memory_space<semaphore_mem>> -> memref<!tpu.dma_semaphore, #tpu.memory_space<semaphore_mem>>
    %dma_start3A_267 = arith.constant 128 : i32
    %dma_start3A_268 = tpu.memref_slice %arg4[%add3A_256, %dma_start3A_267] : memref<16384x256xf32, #tpu.memory_space<hbm>> -> memref<128x128xf32, #tpu.memory_space<hbm>>
    %dma_start3A_269 = arith.constant 0 : i32
    %dma_start3A_270 = arith.constant 0 : i32
    %dma_start3A_271 = tpu.memref_slice %arg6[%dma_start3A_257, %dma_start3A_269, %dma_start3A_270] : memref<6x128x128xf32, #tpu.memory_space<vmem>> -> memref<1x128x128xf32, #tpu.memory_space<vmem>>
    %dma_start3A_272 = tpu.memref_squeeze %dma_start3A_271 : memref<1x128x128xf32, #tpu.memory_space<vmem>> -> memref<128x128xf32, #tpu.memory_space<vmem>>
    tpu.enqueue_dma source(%dma_start3A_272 : memref<128x128xf32, #tpu.memory_space<vmem>>) target(%dma_start3A_268 : memref<128x128xf32, #tpu.memory_space<hbm>>) target_semaphore(%dma_start3A_266 : memref<!tpu.dma_semaphore, #tpu.memory_space<semaphore_mem>>)
    %dma_wait3A_273 = arith.constant 1 : i32
    %dma_wait3A_274 = arith.constant 1 : i32
    %dma_wait3A_275 = arith.constant 0 : i32
    %dma_wait3A_276 = arith.constant 0 : i32
    %dma_wait3A_277 = tpu.memref_slice %arg6[%dma_wait3A_273, %dma_wait3A_275, %dma_wait3A_276] : memref<6x128x128xf32, #tpu.memory_space<vmem>> -> memref<1x128x128xf32, #tpu.memory_space<vmem>>
    %dma_wait3A_278 = tpu.memref_squeeze %dma_wait3A_277 : memref<1x128x128xf32, #tpu.memory_space<vmem>> -> memref<128x128xf32, #tpu.memory_space<vmem>>
    %dma_wait3A_279 = arith.constant 128 : i32
    %dma_wait3A_280 = tpu.memref_slice %arg4[%add3A_144, %dma_wait3A_279] : memref<16384x256xf32, #tpu.memory_space<hbm>> -> memref<128x128xf32, #tpu.memory_space<hbm>>
    %dma_wait3A_281 = tpu.memref_slice %arg9[%dma_wait3A_274] : memref<6x!tpu.dma_semaphore, #tpu.memory_space<semaphore_mem>> -> memref<1x!tpu.dma_semaphore, #tpu.memory_space<semaphore_mem>>
    %dma_wait3A_282 = tpu.memref_squeeze %dma_wait3A_281 : memref<1x!tpu.dma_semaphore, #tpu.memory_space<semaphore_mem>> -> memref<!tpu.dma_semaphore, #tpu.memory_space<semaphore_mem>>
    %dma_wait3A_283 = arith.constant 128 : i32
    %dma_wait3A_284 = tpu.memref_slice %arg4[%add3A_144, %dma_wait3A_283] : memref<16384x256xf32, #tpu.memory_space<hbm>> -> memref<128x128xf32, #tpu.memory_space<hbm>>
    %dma_wait3A_285 = arith.constant 0 : i32
    %dma_wait3A_286 = arith.constant 0 : i32
    %dma_wait3A_287 = tpu.memref_slice %arg6[%dma_wait3A_273, %dma_wait3A_285, %dma_wait3A_286] : memref<6x128x128xf32, #tpu.memory_space<vmem>> -> memref<1x128x128xf32, #tpu.memory_space<vmem>>
    %dma_wait3A_288 = tpu.memref_squeeze %dma_wait3A_287 : memref<1x128x128xf32, #tpu.memory_space<vmem>> -> memref<128x128xf32, #tpu.memory_space<vmem>>
    tpu.wait_dma2 semaphore(%dma_wait3A_282 : memref<!tpu.dma_semaphore, #tpu.memory_space<semaphore_mem>>) src(%dma_wait3A_288 : memref<128x128xf32, #tpu.memory_space<vmem>>) dst(%dma_wait3A_284 : memref<128x128xf32, #tpu.memory_space<hbm>>)
    %dma_start3A_289 = arith.constant 7 : i32
    %dma_start3A_290 = arith.constant 1 : i32
    %dma_start3A_291 = arith.constant 1 : i32
    %dma_start3A_292 = arith.constant 0 : i32
    %dma_start3A_293 = arith.constant 0 : i32
    %dma_start3A_294 = tpu.memref_slice %arg6[%dma_start3A_290, %dma_start3A_292, %dma_start3A_293] : memref<6x128x128xf32, #tpu.memory_space<vmem>> -> memref<1x128x128xf32, #tpu.memory_space<vmem>>
    %dma_start3A_295 = tpu.memref_squeeze %dma_start3A_294 : memref<1x128x128xf32, #tpu.memory_space<vmem>> -> memref<128x128xf32, #tpu.memory_space<vmem>>
    %dma_start3A_296 = arith.constant 0 : i32
    %dma_start3A_297 = tpu.memref_slice %arg5[%dma_start3A_289, %dma_start3A_296] : memref<8x128xi32, #tpu.memory_space<vmem>> -> memref<1x128xi32, #tpu.memory_space<vmem>>
    %dma_start3A_298 = tpu.memref_squeeze %dma_start3A_297 : memref<1x128xi32, #tpu.memory_space<vmem>> -> memref<128xi32, #tpu.memory_space<vmem>>
    %dma_start3A_299 = arith.constant 0 : i32
    %dma_start3A_300 = arith.constant 0 : i32
    %dma_start3A_301 = tpu.memref_slice %arg7[%dma_start3A_299, %dma_start3A_300] : memref<1000x128xf32, #tpu.memory_space<vmem_shared>> -> memref<1000x128xf32, #tpu.memory_space<vmem_shared>>
    %dma_start3A_302 = tpu.memref_slice %arg8[%dma_start3A_291] : memref<6x!tpu.dma_semaphore, #tpu.memory_space<semaphore_mem>> -> memref<1x!tpu.dma_semaphore, #tpu.memory_space<semaphore_mem>>
    %dma_start3A_303 = tpu.memref_squeeze %dma_start3A_302 : memref<1x!tpu.dma_semaphore, #tpu.memory_space<semaphore_mem>> -> memref<!tpu.dma_semaphore, #tpu.memory_space<semaphore_mem>>
    tpu.enqueue_indirect_dma source(%dma_start3A_301 : memref<1000x128xf32, #tpu.memory_space<vmem_shared>>) target(%dma_start3A_295 : memref<128x128xf32, #tpu.memory_space<vmem>>) offsets(%dma_start3A_298 : memref<128xi32, #tpu.memory_space<vmem>>) semaphore(%dma_start3A_303 : memref<!tpu.dma_semaphore, #tpu.memory_space<semaphore_mem>>)
    %dma_wait3A_304 = arith.constant 4 : i32
    %dma_wait3A_305 = arith.constant 4 : i32
    %dma_wait3A_306 = arith.constant 4 : i32
    %dma_wait3A_307 = arith.constant 0 : i32
    %dma_wait3A_308 = arith.constant 0 : i32
    %dma_wait3A_309 = tpu.memref_slice %arg6[%dma_wait3A_305, %dma_wait3A_307, %dma_wait3A_308] : memref<6x128x128xf32, #tpu.memory_space<vmem>> -> memref<1x128x128xf32, #tpu.memory_space<vmem>>
    %dma_wait3A_310 = tpu.memref_squeeze %dma_wait3A_309 : memref<1x128x128xf32, #tpu.memory_space<vmem>> -> memref<128x128xf32, #tpu.memory_space<vmem>>
    %dma_wait3A_311 = arith.constant 0 : i32
    %dma_wait3A_312 = tpu.memref_slice %arg5[%dma_wait3A_304, %dma_wait3A_311] : memref<8x128xi32, #tpu.memory_space<vmem>> -> memref<1x128xi32, #tpu.memory_space<vmem>>
    %dma_wait3A_313 = tpu.memref_squeeze %dma_wait3A_312 : memref<1x128xi32, #tpu.memory_space<vmem>> -> memref<128xi32, #tpu.memory_space<vmem>>
    %dma_wait3A_314 = arith.constant 0 : i32
    %dma_wait3A_315 = arith.constant 0 : i32
    %dma_wait3A_316 = tpu.memref_slice %arg7[%dma_wait3A_314, %dma_wait3A_315] : memref<1000x128xf32, #tpu.memory_space<vmem_shared>> -> memref<1000x128xf32, #tpu.memory_space<vmem_shared>>
    %dma_wait3A_317 = tpu.memref_slice %arg8[%dma_wait3A_306] : memref<6x!tpu.dma_semaphore, #tpu.memory_space<semaphore_mem>> -> memref<1x!tpu.dma_semaphore, #tpu.memory_space<semaphore_mem>>
    %dma_wait3A_318 = tpu.memref_squeeze %dma_wait3A_317 : memref<1x!tpu.dma_semaphore, #tpu.memory_space<semaphore_mem>> -> memref<!tpu.dma_semaphore, #tpu.memory_space<semaphore_mem>>
    tpu.wait_indirect_dma semaphore(%dma_wait3A_318 : memref<!tpu.dma_semaphore, #tpu.memory_space<semaphore_mem>>) src(%dma_wait3A_316 : memref<1000x128xf32, #tpu.memory_space<vmem_shared>>) dst(%dma_wait3A_310 : memref<128x128xf32, #tpu.memory_space<vmem>>)
    %add3A_319 = arith.constant 256 : i32
    %add3A_320 = arith.addi %mul3A_2, %add3A_319 : i32
    %dma_start3A_321 = arith.constant 4 : i32
    %dma_start3A_322 = arith.constant 4 : i32
    %dma_start3A_323 = arith.constant 0 : i32
    %dma_start3A_324 = arith.constant 0 : i32
    %dma_start3A_325 = tpu.memref_slice %arg6[%dma_start3A_321, %dma_start3A_323, %dma_start3A_324] : memref<6x128x128xf32, #tpu.memory_space<vmem>> -> memref<1x128x128xf32, #tpu.memory_space<vmem>>
    %dma_start3A_326 = tpu.memref_squeeze %dma_start3A_325 : memref<1x128x128xf32, #tpu.memory_space<vmem>> -> memref<128x128xf32, #tpu.memory_space<vmem>>
    %dma_start3A_327 = arith.constant 0 : i32
    %dma_start3A_328 = tpu.memref_slice %arg4[%add3A_320, %dma_start3A_327] : memref<16384x256xf32, #tpu.memory_space<hbm>> -> memref<128x128xf32, #tpu.memory_space<hbm>>
    %dma_start3A_329 = tpu.memref_slice %arg9[%dma_start3A_322] : memref<6x!tpu.dma_semaphore, #tpu.memory_space<semaphore_mem>> -> memref<1x!tpu.dma_semaphore, #tpu.memory_space<semaphore_mem>>
    %dma_start3A_330 = tpu.memref_squeeze %dma_start3A_329 : memref<1x!tpu.dma_semaphore, #tpu.memory_space<semaphore_mem>> -> memref<!tpu.dma_semaphore, #tpu.memory_space<semaphore_mem>>
    %dma_start3A_331 = arith.constant 0 : i32
    %dma_start3A_332 = tpu.memref_slice %arg4[%add3A_320, %dma_start3A_331] : memref<16384x256xf32, #tpu.memory_space<hbm>> -> memref<128x128xf32, #tpu.memory_space<hbm>>
    %dma_start3A_333 = arith.constant 0 : i32
    %dma_start3A_334 = arith.constant 0 : i32
    %dma_start3A_335 = tpu.memref_slice %arg6[%dma_start3A_321, %dma_start3A_333, %dma_start3A_334] : memref<6x128x128xf32, #tpu.memory_space<vmem>> -> memref<1x128x128xf32, #tpu.memory_space<vmem>>
    %dma_start3A_336 = tpu.memref_squeeze %dma_start3A_335 : memref<1x128x128xf32, #tpu.memory_space<vmem>> -> memref<128x128xf32, #tpu.memory_space<vmem>>
    tpu.enqueue_dma source(%dma_start3A_336 : memref<128x128xf32, #tpu.memory_space<vmem>>) target(%dma_start3A_332 : memref<128x128xf32, #tpu.memory_space<hbm>>) target_semaphore(%dma_start3A_330 : memref<!tpu.dma_semaphore, #tpu.memory_space<semaphore_mem>>)
    %dma_wait3A_337 = arith.constant 5 : i32
    %dma_wait3A_338 = arith.constant 5 : i32
    %dma_wait3A_339 = arith.constant 5 : i32
    %dma_wait3A_340 = arith.constant 0 : i32
    %dma_wait3A_341 = arith.constant 0 : i32
    %dma_wait3A_342 = tpu.memref_slice %arg6[%dma_wait3A_338, %dma_wait3A_340, %dma_wait3A_341] : memref<6x128x128xf32, #tpu.memory_space<vmem>> -> memref<1x128x128xf32, #tpu.memory_space<vmem>>
    %dma_wait3A_343 = tpu.memref_squeeze %dma_wait3A_342 : memref<1x128x128xf32, #tpu.memory_space<vmem>> -> memref<128x128xf32, #tpu.memory_space<vmem>>
    %dma_wait3A_344 = arith.constant 0 : i32
    %dma_wait3A_345 = tpu.memref_slice %arg5[%dma_wait3A_337, %dma_wait3A_344] : memref<8x128xi32, #tpu.memory_space<vmem>> -> memref<1x128xi32, #tpu.memory_space<vmem>>
    %dma_wait3A_346 = tpu.memref_squeeze %dma_wait3A_345 : memref<1x128xi32, #tpu.memory_space<vmem>> -> memref<128xi32, #tpu.memory_space<vmem>>
    %dma_wait3A_347 = arith.constant 0 : i32
    %dma_wait3A_348 = arith.constant 0 : i32
    %dma_wait3A_349 = tpu.memref_slice %arg7[%dma_wait3A_347, %dma_wait3A_348] : memref<1000x128xf32, #tpu.memory_space<vmem_shared>> -> memref<1000x128xf32, #tpu.memory_space<vmem_shared>>
    %dma_wait3A_350 = tpu.memref_slice %arg8[%dma_wait3A_339] : memref<6x!tpu.dma_semaphore, #tpu.memory_space<semaphore_mem>> -> memref<1x!tpu.dma_semaphore, #tpu.memory_space<semaphore_mem>>
    %dma_wait3A_351 = tpu.memref_squeeze %dma_wait3A_350 : memref<1x!tpu.dma_semaphore, #tpu.memory_space<semaphore_mem>> -> memref<!tpu.dma_semaphore, #tpu.memory_space<semaphore_mem>>
    tpu.wait_indirect_dma semaphore(%dma_wait3A_351 : memref<!tpu.dma_semaphore, #tpu.memory_space<semaphore_mem>>) src(%dma_wait3A_349 : memref<1000x128xf32, #tpu.memory_space<vmem_shared>>) dst(%dma_wait3A_343 : memref<128x128xf32, #tpu.memory_space<vmem>>)
    %add3A_352 = arith.constant 256 : i32
    %add3A_353 = arith.addi %mul3A_2, %add3A_352 : i32
    %dma_start3A_354 = arith.constant 5 : i32
    %dma_start3A_355 = arith.constant 5 : i32
    %dma_start3A_356 = arith.constant 0 : i32
    %dma_start3A_357 = arith.constant 0 : i32
    %dma_start3A_358 = tpu.memref_slice %arg6[%dma_start3A_354, %dma_start3A_356, %dma_start3A_357] : memref<6x128x128xf32, #tpu.memory_space<vmem>> -> memref<1x128x128xf32, #tpu.memory_space<vmem>>
    %dma_start3A_359 = tpu.memref_squeeze %dma_start3A_358 : memref<1x128x128xf32, #tpu.memory_space<vmem>> -> memref<128x128xf32, #tpu.memory_space<vmem>>
    %dma_start3A_360 = arith.constant 128 : i32
    %dma_start3A_361 = tpu.memref_slice %arg4[%add3A_353, %dma_start3A_360] : memref<16384x256xf32, #tpu.memory_space<hbm>> -> memref<128x128xf32, #tpu.memory_space<hbm>>
    %dma_start3A_362 = tpu.memref_slice %arg9[%dma_start3A_355] : memref<6x!tpu.dma_semaphore, #tpu.memory_space<semaphore_mem>> -> memref<1x!tpu.dma_semaphore, #tpu.memory_space<semaphore_mem>>
    %dma_start3A_363 = tpu.memref_squeeze %dma_start3A_362 : memref<1x!tpu.dma_semaphore, #tpu.memory_space<semaphore_mem>> -> memref<!tpu.dma_semaphore, #tpu.memory_space<semaphore_mem>>
    %dma_start3A_364 = arith.constant 128 : i32
    %dma_start3A_365 = tpu.memref_slice %arg4[%add3A_353, %dma_start3A_364] : memref<16384x256xf32, #tpu.memory_space<hbm>> -> memref<128x128xf32, #tpu.memory_space<hbm>>
    %dma_start3A_366 = arith.constant 0 : i32
    %dma_start3A_367 = arith.constant 0 : i32
    %dma_start3A_368 = tpu.memref_slice %arg6[%dma_start3A_354, %dma_start3A_366, %dma_start3A_367] : memref<6x128x128xf32, #tpu.memory_space<vmem>> -> memref<1x128x128xf32, #tpu.memory_space<vmem>>
    %dma_start3A_369 = tpu.memref_squeeze %dma_start3A_368 : memref<1x128x128xf32, #tpu.memory_space<vmem>> -> memref<128x128xf32, #tpu.memory_space<vmem>>
    tpu.enqueue_dma source(%dma_start3A_369 : memref<128x128xf32, #tpu.memory_space<vmem>>) target(%dma_start3A_365 : memref<128x128xf32, #tpu.memory_space<hbm>>) target_semaphore(%dma_start3A_363 : memref<!tpu.dma_semaphore, #tpu.memory_space<semaphore_mem>>)
    %dma_wait3A_370 = arith.constant 6 : i32
    %dma_wait3A_371 = arith.constant 0 : i32
    %dma_wait3A_372 = arith.constant 0 : i32
    %dma_wait3A_373 = arith.constant 0 : i32
    %dma_wait3A_374 = arith.constant 0 : i32
    %dma_wait3A_375 = tpu.memref_slice %arg6[%dma_wait3A_371, %dma_wait3A_373, %dma_wait3A_374] : memref<6x128x128xf32, #tpu.memory_space<vmem>> -> memref<1x128x128xf32, #tpu.memory_space<vmem>>
    %dma_wait3A_376 = tpu.memref_squeeze %dma_wait3A_375 : memref<1x128x128xf32, #tpu.memory_space<vmem>> -> memref<128x128xf32, #tpu.memory_space<vmem>>
    %dma_wait3A_377 = arith.constant 0 : i32
    %dma_wait3A_378 = tpu.memref_slice %arg5[%dma_wait3A_370, %dma_wait3A_377] : memref<8x128xi32, #tpu.memory_space<vmem>> -> memref<1x128xi32, #tpu.memory_space<vmem>>
    %dma_wait3A_379 = tpu.memref_squeeze %dma_wait3A_378 : memref<1x128xi32, #tpu.memory_space<vmem>> -> memref<128xi32, #tpu.memory_space<vmem>>
    %dma_wait3A_380 = arith.constant 0 : i32
    %dma_wait3A_381 = arith.constant 0 : i32
    %dma_wait3A_382 = tpu.memref_slice %arg7[%dma_wait3A_380, %dma_wait3A_381] : memref<1000x128xf32, #tpu.memory_space<vmem_shared>> -> memref<1000x128xf32, #tpu.memory_space<vmem_shared>>
    %dma_wait3A_383 = tpu.memref_slice %arg8[%dma_wait3A_372] : memref<6x!tpu.dma_semaphore, #tpu.memory_space<semaphore_mem>> -> memref<1x!tpu.dma_semaphore, #tpu.memory_space<semaphore_mem>>
    %dma_wait3A_384 = tpu.memref_squeeze %dma_wait3A_383 : memref<1x!tpu.dma_semaphore, #tpu.memory_space<semaphore_mem>> -> memref<!tpu.dma_semaphore, #tpu.memory_space<semaphore_mem>>
    tpu.wait_indirect_dma semaphore(%dma_wait3A_384 : memref<!tpu.dma_semaphore, #tpu.memory_space<semaphore_mem>>) src(%dma_wait3A_382 : memref<1000x128xf32, #tpu.memory_space<vmem_shared>>) dst(%dma_wait3A_376 : memref<128x128xf32, #tpu.memory_space<vmem>>)
    %add3A_385 = arith.constant 384 : i32
    %add3A_386 = arith.addi %mul3A_2, %add3A_385 : i32
    %dma_start3A_387 = arith.constant 0 : i32
    %dma_start3A_388 = arith.constant 0 : i32
    %dma_start3A_389 = arith.constant 0 : i32
    %dma_start3A_390 = arith.constant 0 : i32
    %dma_start3A_391 = tpu.memref_slice %arg6[%dma_start3A_387, %dma_start3A_389, %dma_start3A_390] : memref<6x128x128xf32, #tpu.memory_space<vmem>> -> memref<1x128x128xf32, #tpu.memory_space<vmem>>
    %dma_start3A_392 = tpu.memref_squeeze %dma_start3A_391 : memref<1x128x128xf32, #tpu.memory_space<vmem>> -> memref<128x128xf32, #tpu.memory_space<vmem>>
    %dma_start3A_393 = arith.constant 0 : i32
    %dma_start3A_394 = tpu.memref_slice %arg4[%add3A_386, %dma_start3A_393] : memref<16384x256xf32, #tpu.memory_space<hbm>> -> memref<128x128xf32, #tpu.memory_space<hbm>>
    %dma_start3A_395 = tpu.memref_slice %arg9[%dma_start3A_388] : memref<6x!tpu.dma_semaphore, #tpu.memory_space<semaphore_mem>> -> memref<1x!tpu.dma_semaphore, #tpu.memory_space<semaphore_mem>>
    %dma_start3A_396 = tpu.memref_squeeze %dma_start3A_395 : memref<1x!tpu.dma_semaphore, #tpu.memory_space<semaphore_mem>> -> memref<!tpu.dma_semaphore, #tpu.memory_space<semaphore_mem>>
    %dma_start3A_397 = arith.constant 0 : i32
    %dma_start3A_398 = tpu.memref_slice %arg4[%add3A_386, %dma_start3A_397] : memref<16384x256xf32, #tpu.memory_space<hbm>> -> memref<128x128xf32, #tpu.memory_space<hbm>>
    %dma_start3A_399 = arith.constant 0 : i32
    %dma_start3A_400 = arith.constant 0 : i32
    %dma_start3A_401 = tpu.memref_slice %arg6[%dma_start3A_387, %dma_start3A_399, %dma_start3A_400] : memref<6x128x128xf32, #tpu.memory_space<vmem>> -> memref<1x128x128xf32, #tpu.memory_space<vmem>>
    %dma_start3A_402 = tpu.memref_squeeze %dma_start3A_401 : memref<1x128x128xf32, #tpu.memory_space<vmem>> -> memref<128x128xf32, #tpu.memory_space<vmem>>
    tpu.enqueue_dma source(%dma_start3A_402 : memref<128x128xf32, #tpu.memory_space<vmem>>) target(%dma_start3A_398 : memref<128x128xf32, #tpu.memory_space<hbm>>) target_semaphore(%dma_start3A_396 : memref<!tpu.dma_semaphore, #tpu.memory_space<semaphore_mem>>)
    %dma_wait3A_403 = arith.constant 7 : i32
    %dma_wait3A_404 = arith.constant 1 : i32
    %dma_wait3A_405 = arith.constant 1 : i32
    %dma_wait3A_406 = arith.constant 0 : i32
    %dma_wait3A_407 = arith.constant 0 : i32
    %dma_wait3A_408 = tpu.memref_slice %arg6[%dma_wait3A_404, %dma_wait3A_406, %dma_wait3A_407] : memref<6x128x128xf32, #tpu.memory_space<vmem>> -> memref<1x128x128xf32, #tpu.memory_space<vmem>>
    %dma_wait3A_409 = tpu.memref_squeeze %dma_wait3A_408 : memref<1x128x128xf32, #tpu.memory_space<vmem>> -> memref<128x128xf32, #tpu.memory_space<vmem>>
    %dma_wait3A_410 = arith.constant 0 : i32
    %dma_wait3A_411 = tpu.memref_slice %arg5[%dma_wait3A_403, %dma_wait3A_410] : memref<8x128xi32, #tpu.memory_space<vmem>> -> memref<1x128xi32, #tpu.memory_space<vmem>>
    %dma_wait3A_412 = tpu.memref_squeeze %dma_wait3A_411 : memref<1x128xi32, #tpu.memory_space<vmem>> -> memref<128xi32, #tpu.memory_space<vmem>>
    %dma_wait3A_413 = arith.constant 0 : i32
    %dma_wait3A_414 = arith.constant 0 : i32
    %dma_wait3A_415 = tpu.memref_slice %arg7[%dma_wait3A_413, %dma_wait3A_414] : memref<1000x128xf32, #tpu.memory_space<vmem_shared>> -> memref<1000x128xf32, #tpu.memory_space<vmem_shared>>
    %dma_wait3A_416 = tpu.memref_slice %arg8[%dma_wait3A_405] : memref<6x!tpu.dma_semaphore, #tpu.memory_space<semaphore_mem>> -> memref<1x!tpu.dma_semaphore, #tpu.memory_space<semaphore_mem>>
    %dma_wait3A_417 = tpu.memref_squeeze %dma_wait3A_416 : memref<1x!tpu.dma_semaphore, #tpu.memory_space<semaphore_mem>> -> memref<!tpu.dma_semaphore, #tpu.memory_space<semaphore_mem>>
    tpu.wait_indirect_dma semaphore(%dma_wait3A_417 : memref<!tpu.dma_semaphore, #tpu.memory_space<semaphore_mem>>) src(%dma_wait3A_415 : memref<1000x128xf32, #tpu.memory_space<vmem_shared>>) dst(%dma_wait3A_409 : memref<128x128xf32, #tpu.memory_space<vmem>>)
    %add3A_418 = arith.constant 384 : i32
    %add3A_419 = arith.addi %mul3A_2, %add3A_418 : i32
    %dma_start3A_420 = arith.constant 1 : i32
    %dma_start3A_421 = arith.constant 1 : i32
    %dma_start3A_422 = arith.constant 0 : i32
    %dma_start3A_423 = arith.constant 0 : i32
    %dma_start3A_424 = tpu.memref_slice %arg6[%dma_start3A_420, %dma_start3A_422, %dma_start3A_423] : memref<6x128x128xf32, #tpu.memory_space<vmem>> -> memref<1x128x128xf32, #tpu.memory_space<vmem>>
    %dma_start3A_425 = tpu.memref_squeeze %dma_start3A_424 : memref<1x128x128xf32, #tpu.memory_space<vmem>> -> memref<128x128xf32, #tpu.memory_space<vmem>>
    %dma_start3A_426 = arith.constant 128 : i32
    %dma_start3A_427 = tpu.memref_slice %arg4[%add3A_419, %dma_start3A_426] : memref<16384x256xf32, #tpu.memory_space<hbm>> -> memref<128x128xf32, #tpu.memory_space<hbm>>
    %dma_start3A_428 = tpu.memref_slice %arg9[%dma_start3A_421] : memref<6x!tpu.dma_semaphore, #tpu.memory_space<semaphore_mem>> -> memref<1x!tpu.dma_semaphore, #tpu.memory_space<semaphore_mem>>
    %dma_start3A_429 = tpu.memref_squeeze %dma_start3A_428 : memref<1x!tpu.dma_semaphore, #tpu.memory_space<semaphore_mem>> -> memref<!tpu.dma_semaphore, #tpu.memory_space<semaphore_mem>>
    %dma_start3A_430 = arith.constant 128 : i32
    %dma_start3A_431 = tpu.memref_slice %arg4[%add3A_419, %dma_start3A_430] : memref<16384x256xf32, #tpu.memory_space<hbm>> -> memref<128x128xf32, #tpu.memory_space<hbm>>
    %dma_start3A_432 = arith.constant 0 : i32
    %dma_start3A_433 = arith.constant 0 : i32
    %dma_start3A_434 = tpu.memref_slice %arg6[%dma_start3A_420, %dma_start3A_432, %dma_start3A_433] : memref<6x128x128xf32, #tpu.memory_space<vmem>> -> memref<1x128x128xf32, #tpu.memory_space<vmem>>
    %dma_start3A_435 = tpu.memref_squeeze %dma_start3A_434 : memref<1x128x128xf32, #tpu.memory_space<vmem>> -> memref<128x128xf32, #tpu.memory_space<vmem>>
    tpu.enqueue_dma source(%dma_start3A_435 : memref<128x128xf32, #tpu.memory_space<vmem>>) target(%dma_start3A_431 : memref<128x128xf32, #tpu.memory_space<hbm>>) target_semaphore(%dma_start3A_429 : memref<!tpu.dma_semaphore, #tpu.memory_space<semaphore_mem>>)
    %dma_wait3A_436 = arith.constant 2 : i32
    %dma_wait3A_437 = arith.constant 2 : i32
    %dma_wait3A_438 = arith.constant 0 : i32
    %dma_wait3A_439 = arith.constant 0 : i32
    %dma_wait3A_440 = tpu.memref_slice %arg6[%dma_wait3A_436, %dma_wait3A_438, %dma_wait3A_439] : memref<6x128x128xf32, #tpu.memory_space<vmem>> -> memref<1x128x128xf32, #tpu.memory_space<vmem>>
    %dma_wait3A_441 = tpu.memref_squeeze %dma_wait3A_440 : memref<1x128x128xf32, #tpu.memory_space<vmem>> -> memref<128x128xf32, #tpu.memory_space<vmem>>
    %dma_wait3A_442 = arith.constant 0 : i32
    %dma_wait3A_443 = tpu.memref_slice %arg4[%add3A_192, %dma_wait3A_442] : memref<16384x256xf32, #tpu.memory_space<hbm>> -> memref<128x128xf32, #tpu.memory_space<hbm>>
    %dma_wait3A_444 = tpu.memref_slice %arg9[%dma_wait3A_437] : memref<6x!tpu.dma_semaphore, #tpu.memory_space<semaphore_mem>> -> memref<1x!tpu.dma_semaphore, #tpu.memory_space<semaphore_mem>>
    %dma_wait3A_445 = tpu.memref_squeeze %dma_wait3A_444 : memref<1x!tpu.dma_semaphore, #tpu.memory_space<semaphore_mem>> -> memref<!tpu.dma_semaphore, #tpu.memory_space<semaphore_mem>>
    %dma_wait3A_446 = arith.constant 0 : i32
    %dma_wait3A_447 = tpu.memref_slice %arg4[%add3A_192, %dma_wait3A_446] : memref<16384x256xf32, #tpu.memory_space<hbm>> -> memref<128x128xf32, #tpu.memory_space<hbm>>
    %dma_wait3A_448 = arith.constant 0 : i32
    %dma_wait3A_449 = arith.constant 0 : i32
    %dma_wait3A_450 = tpu.memref_slice %arg6[%dma_wait3A_436, %dma_wait3A_448, %dma_wait3A_449] : memref<6x128x128xf32, #tpu.memory_space<vmem>> -> memref<1x128x128xf32, #tpu.memory_space<vmem>>
    %dma_wait3A_451 = tpu.memref_squeeze %dma_wait3A_450 : memref<1x128x128xf32, #tpu.memory_space<vmem>> -> memref<128x128xf32, #tpu.memory_space<vmem>>
    tpu.wait_dma2 semaphore(%dma_wait3A_445 : memref<!tpu.dma_semaphore, #tpu.memory_space<semaphore_mem>>) src(%dma_wait3A_451 : memref<128x128xf32, #tpu.memory_space<vmem>>) dst(%dma_wait3A_447 : memref<128x128xf32, #tpu.memory_space<hbm>>)
    %dma_wait3A_452 = arith.constant 3 : i32
    %dma_wait3A_453 = arith.constant 3 : i32
    %dma_wait3A_454 = arith.constant 0 : i32
    %dma_wait3A_455 = arith.constant 0 : i32
    %dma_wait3A_456 = tpu.memref_slice %arg6[%dma_wait3A_452, %dma_wait3A_454, %dma_wait3A_455] : memref<6x128x128xf32, #tpu.memory_space<vmem>> -> memref<1x128x128xf32, #tpu.memory_space<vmem>>
    %dma_wait3A_457 = tpu.memref_squeeze %dma_wait3A_456 : memref<1x128x128xf32, #tpu.memory_space<vmem>> -> memref<128x128xf32, #tpu.memory_space<vmem>>
    %dma_wait3A_458 = arith.constant 128 : i32
    %dma_wait3A_459 = tpu.memref_slice %arg4[%add3A_256, %dma_wait3A_458] : memref<16384x256xf32, #tpu.memory_space<hbm>> -> memref<128x128xf32, #tpu.memory_space<hbm>>
    %dma_wait3A_460 = tpu.memref_slice %arg9[%dma_wait3A_453] : memref<6x!tpu.dma_semaphore, #tpu.memory_space<semaphore_mem>> -> memref<1x!tpu.dma_semaphore, #tpu.memory_space<semaphore_mem>>
    %dma_wait3A_461 = tpu.memref_squeeze %dma_wait3A_460 : memref<1x!tpu.dma_semaphore, #tpu.memory_space<semaphore_mem>> -> memref<!tpu.dma_semaphore, #tpu.memory_space<semaphore_mem>>
    %dma_wait3A_462 = arith.constant 128 : i32
    %dma_wait3A_463 = tpu.memref_slice %arg4[%add3A_256, %dma_wait3A_462] : memref<16384x256xf32, #tpu.memory_space<hbm>> -> memref<128x128xf32, #tpu.memory_space<hbm>>
    %dma_wait3A_464 = arith.constant 0 : i32
    %dma_wait3A_465 = arith.constant 0 : i32
    %dma_wait3A_466 = tpu.memref_slice %arg6[%dma_wait3A_452, %dma_wait3A_464, %dma_wait3A_465] : memref<6x128x128xf32, #tpu.memory_space<vmem>> -> memref<1x128x128xf32, #tpu.memory_space<vmem>>
    %dma_wait3A_467 = tpu.memref_squeeze %dma_wait3A_466 : memref<1x128x128xf32, #tpu.memory_space<vmem>> -> memref<128x128xf32, #tpu.memory_space<vmem>>
    tpu.wait_dma2 semaphore(%dma_wait3A_461 : memref<!tpu.dma_semaphore, #tpu.memory_space<semaphore_mem>>) src(%dma_wait3A_467 : memref<128x128xf32, #tpu.memory_space<vmem>>) dst(%dma_wait3A_463 : memref<128x128xf32, #tpu.memory_space<hbm>>)
    %dma_wait3A_468 = arith.constant 4 : i32
    %dma_wait3A_469 = arith.constant 4 : i32
    %dma_wait3A_470 = arith.constant 0 : i32
    %dma_wait3A_471 = arith.constant 0 : i32
    %dma_wait3A_472 = tpu.memref_slice %arg6[%dma_wait3A_468, %dma_wait3A_470, %dma_wait3A_471] : memref<6x128x128xf32, #tpu.memory_space<vmem>> -> memref<1x128x128xf32, #tpu.memory_space<vmem>>
    %dma_wait3A_473 = tpu.memref_squeeze %dma_wait3A_472 : memref<1x128x128xf32, #tpu.memory_space<vmem>> -> memref<128x128xf32, #tpu.memory_space<vmem>>
    %dma_wait3A_474 = arith.constant 0 : i32
    %dma_wait3A_475 = tpu.memref_slice %arg4[%add3A_320, %dma_wait3A_474] : memref<16384x256xf32, #tpu.memory_space<hbm>> -> memref<128x128xf32, #tpu.memory_space<hbm>>
    %dma_wait3A_476 = tpu.memref_slice %arg9[%dma_wait3A_469] : memref<6x!tpu.dma_semaphore, #tpu.memory_space<semaphore_mem>> -> memref<1x!tpu.dma_semaphore, #tpu.memory_space<semaphore_mem>>
    %dma_wait3A_477 = tpu.memref_squeeze %dma_wait3A_476 : memref<1x!tpu.dma_semaphore, #tpu.memory_space<semaphore_mem>> -> memref<!tpu.dma_semaphore, #tpu.memory_space<semaphore_mem>>
    %dma_wait3A_478 = arith.constant 0 : i32
    %dma_wait3A_479 = tpu.memref_slice %arg4[%add3A_320, %dma_wait3A_478] : memref<16384x256xf32, #tpu.memory_space<hbm>> -> memref<128x128xf32, #tpu.memory_space<hbm>>
    %dma_wait3A_480 = arith.constant 0 : i32
    %dma_wait3A_481 = arith.constant 0 : i32
    %dma_wait3A_482 = tpu.memref_slice %arg6[%dma_wait3A_468, %dma_wait3A_480, %dma_wait3A_481] : memref<6x128x128xf32, #tpu.memory_space<vmem>> -> memref<1x128x128xf32, #tpu.memory_space<vmem>>
    %dma_wait3A_483 = tpu.memref_squeeze %dma_wait3A_482 : memref<1x128x128xf32, #tpu.memory_space<vmem>> -> memref<128x128xf32, #tpu.memory_space<vmem>>
    tpu.wait_dma2 semaphore(%dma_wait3A_477 : memref<!tpu.dma_semaphore, #tpu.memory_space<semaphore_mem>>) src(%dma_wait3A_483 : memref<128x128xf32, #tpu.memory_space<vmem>>) dst(%dma_wait3A_479 : memref<128x128xf32, #tpu.memory_space<hbm>>)
    %dma_wait3A_484 = arith.constant 5 : i32
    %dma_wait3A_485 = arith.constant 5 : i32
    %dma_wait3A_486 = arith.constant 0 : i32
    %dma_wait3A_487 = arith.constant 0 : i32
    %dma_wait3A_488 = tpu.memref_slice %arg6[%dma_wait3A_484, %dma_wait3A_486, %dma_wait3A_487] : memref<6x128x128xf32, #tpu.memory_space<vmem>> -> memref<1x128x128xf32, #tpu.memory_space<vmem>>
    %dma_wait3A_489 = tpu.memref_squeeze %dma_wait3A_488 : memref<1x128x128xf32, #tpu.memory_space<vmem>> -> memref<128x128xf32, #tpu.memory_space<vmem>>
    %dma_wait3A_490 = arith.constant 128 : i32
    %dma_wait3A_491 = tpu.memref_slice %arg4[%add3A_353, %dma_wait3A_490] : memref<16384x256xf32, #tpu.memory_space<hbm>> -> memref<128x128xf32, #tpu.memory_space<hbm>>
    %dma_wait3A_492 = tpu.memref_slice %arg9[%dma_wait3A_485] : memref<6x!tpu.dma_semaphore, #tpu.memory_space<semaphore_mem>> -> memref<1x!tpu.dma_semaphore, #tpu.memory_space<semaphore_mem>>
    %dma_wait3A_493 = tpu.memref_squeeze %dma_wait3A_492 : memref<1x!tpu.dma_semaphore, #tpu.memory_space<semaphore_mem>> -> memref<!tpu.dma_semaphore, #tpu.memory_space<semaphore_mem>>
    %dma_wait3A_494 = arith.constant 128 : i32
    %dma_wait3A_495 = tpu.memref_slice %arg4[%add3A_353, %dma_wait3A_494] : memref<16384x256xf32, #tpu.memory_space<hbm>> -> memref<128x128xf32, #tpu.memory_space<hbm>>
    %dma_wait3A_496 = arith.constant 0 : i32
    %dma_wait3A_497 = arith.constant 0 : i32
    %dma_wait3A_498 = tpu.memref_slice %arg6[%dma_wait3A_484, %dma_wait3A_496, %dma_wait3A_497] : memref<6x128x128xf32, #tpu.memory_space<vmem>> -> memref<1x128x128xf32, #tpu.memory_space<vmem>>
    %dma_wait3A_499 = tpu.memref_squeeze %dma_wait3A_498 : memref<1x128x128xf32, #tpu.memory_space<vmem>> -> memref<128x128xf32, #tpu.memory_space<vmem>>
    tpu.wait_dma2 semaphore(%dma_wait3A_493 : memref<!tpu.dma_semaphore, #tpu.memory_space<semaphore_mem>>) src(%dma_wait3A_499 : memref<128x128xf32, #tpu.memory_space<vmem>>) dst(%dma_wait3A_495 : memref<128x128xf32, #tpu.memory_space<hbm>>)
    %dma_wait3A_500 = arith.constant 0 : i32
    %dma_wait3A_501 = arith.constant 0 : i32
    %dma_wait3A_502 = arith.constant 0 : i32
    %dma_wait3A_503 = arith.constant 0 : i32
    %dma_wait3A_504 = tpu.memref_slice %arg6[%dma_wait3A_500, %dma_wait3A_502, %dma_wait3A_503] : memref<6x128x128xf32, #tpu.memory_space<vmem>> -> memref<1x128x128xf32, #tpu.memory_space<vmem>>
    %dma_wait3A_505 = tpu.memref_squeeze %dma_wait3A_504 : memref<1x128x128xf32, #tpu.memory_space<vmem>> -> memref<128x128xf32, #tpu.memory_space<vmem>>
    %dma_wait3A_506 = arith.constant 0 : i32
    %dma_wait3A_507 = tpu.memref_slice %arg4[%add3A_386, %dma_wait3A_506] : memref<16384x256xf32, #tpu.memory_space<hbm>> -> memref<128x128xf32, #tpu.memory_space<hbm>>
    %dma_wait3A_508 = tpu.memref_slice %arg9[%dma_wait3A_501] : memref<6x!tpu.dma_semaphore, #tpu.memory_space<semaphore_mem>> -> memref<1x!tpu.dma_semaphore, #tpu.memory_space<semaphore_mem>>
    %dma_wait3A_509 = tpu.memref_squeeze %dma_wait3A_508 : memref<1x!tpu.dma_semaphore, #tpu.memory_space<semaphore_mem>> -> memref<!tpu.dma_semaphore, #tpu.memory_space<semaphore_mem>>
    %dma_wait3A_510 = arith.constant 0 : i32
    %dma_wait3A_511 = tpu.memref_slice %arg4[%add3A_386, %dma_wait3A_510] : memref<16384x256xf32, #tpu.memory_space<hbm>> -> memref<128x128xf32, #tpu.memory_space<hbm>>
    %dma_wait3A_512 = arith.constant 0 : i32
    %dma_wait3A_513 = arith.constant 0 : i32
    %dma_wait3A_514 = tpu.memref_slice %arg6[%dma_wait3A_500, %dma_wait3A_512, %dma_wait3A_513] : memref<6x128x128xf32, #tpu.memory_space<vmem>> -> memref<1x128x128xf32, #tpu.memory_space<vmem>>
    %dma_wait3A_515 = tpu.memref_squeeze %dma_wait3A_514 : memref<1x128x128xf32, #tpu.memory_space<vmem>> -> memref<128x128xf32, #tpu.memory_space<vmem>>
    tpu.wait_dma2 semaphore(%dma_wait3A_509 : memref<!tpu.dma_semaphore, #tpu.memory_space<semaphore_mem>>) src(%dma_wait3A_515 : memref<128x128xf32, #tpu.memory_space<vmem>>) dst(%dma_wait3A_511 : memref<128x128xf32, #tpu.memory_space<hbm>>)
    %dma_wait3A_516 = arith.constant 1 : i32
    %dma_wait3A_517 = arith.constant 1 : i32
    %dma_wait3A_518 = arith.constant 0 : i32
    %dma_wait3A_519 = arith.constant 0 : i32
    %dma_wait3A_520 = tpu.memref_slice %arg6[%dma_wait3A_516, %dma_wait3A_518, %dma_wait3A_519] : memref<6x128x128xf32, #tpu.memory_space<vmem>> -> memref<1x128x128xf32, #tpu.memory_space<vmem>>
    %dma_wait3A_521 = tpu.memref_squeeze %dma_wait3A_520 : memref<1x128x128xf32, #tpu.memory_space<vmem>> -> memref<128x128xf32, #tpu.memory_space<vmem>>
    %dma_wait3A_522 = arith.constant 128 : i32
    %dma_wait3A_523 = tpu.memref_slice %arg4[%add3A_419, %dma_wait3A_522] : memref<16384x256xf32, #tpu.memory_space<hbm>> -> memref<128x128xf32, #tpu.memory_space<hbm>>
    %dma_wait3A_524 = tpu.memref_slice %arg9[%dma_wait3A_517] : memref<6x!tpu.dma_semaphore, #tpu.memory_space<semaphore_mem>> -> memref<1x!tpu.dma_semaphore, #tpu.memory_space<semaphore_mem>>
    %dma_wait3A_525 = tpu.memref_squeeze %dma_wait3A_524 : memref<1x!tpu.dma_semaphore, #tpu.memory_space<semaphore_mem>> -> memref<!tpu.dma_semaphore, #tpu.memory_space<semaphore_mem>>
    %dma_wait3A_526 = arith.constant 128 : i32
    %dma_wait3A_527 = tpu.memref_slice %arg4[%add3A_419, %dma_wait3A_526] : memref<16384x256xf32, #tpu.memory_space<hbm>> -> memref<128x128xf32, #tpu.memory_space<hbm>>
    %dma_wait3A_528 = arith.constant 0 : i32
    %dma_wait3A_529 = arith.constant 0 : i32
    %dma_wait3A_530 = tpu.memref_slice %arg6[%dma_wait3A_516, %dma_wait3A_528, %dma_wait3A_529] : memref<6x128x128xf32, #tpu.memory_space<vmem>> -> memref<1x128x128xf32, #tpu.memory_space<vmem>>
    %dma_wait3A_531 = tpu.memref_squeeze %dma_wait3A_530 : memref<1x128x128xf32, #tpu.memory_space<vmem>> -> memref<128x128xf32, #tpu.memory_space<vmem>>
    tpu.wait_dma2 semaphore(%dma_wait3A_525 : memref<!tpu.dma_semaphore, #tpu.memory_space<semaphore_mem>>) src(%dma_wait3A_531 : memref<128x128xf32, #tpu.memory_space<vmem>>) dst(%dma_wait3A_527 : memref<128x128xf32, #tpu.memory_space<hbm>>)
    return
  }
}

module attributes {stable_mosaic.version = 14 : i64} {
  func.func @_proj_body(%arg0: memref<1000x128xf32, #tpu.memory_space<vmem>>, %arg1: memref<128x128xf32, #tpu.memory_space<vmem>>, %arg2: memref<1x128xf32, #tpu.memory_space<vmem>>, %arg3: memref<1000x128xf32, #tpu.memory_space<vmem>>) attributes {dimension_semantics = [], scalar_prefetch = 0 : i64, scratch_operands = 0 : i64, tpu.core_type = #tpu.core_type<tc>} {
    %get3A = arith.constant 0 : index
    %get3A_0 = arith.constant 0 : index
    %get3A_1 = vector.load %arg0[%get3A, %get3A_0] : memref<1000x128xf32, #tpu.memory_space<vmem>>, vector<1000x128xf32>
    %get3A_2 = arith.constant 0 : index
    %get3A_3 = arith.constant 0 : index
    %get3A_4 = vector.load %arg1[%get3A_2, %get3A_3] : memref<128x128xf32, #tpu.memory_space<vmem>>, vector<128x128xf32>
    %dot_general3A = arith.constant dense<0.000000e+00> : vector<1000x128xf32>
    %dot_general3A_5 = tpu.matmul %get3A_1, %get3A_4, %dot_general3A {dimension_numbers = #tpu.dot_dimension_numbers<[1], [1], [0], [0], [0, 0, 1, 0], [], []>, transpose_lhs_hint = false} : vector<1000x128xf32>, vector<128x128xf32>, vector<1000x128xf32> -> vector<1000x128xf32>
    %get3A_6 = arith.constant 0 : index
    %get3A_7 = arith.constant 0 : index
    %get3A_8 = vector.load %arg2[%get3A_6, %get3A_7] : memref<1x128xf32, #tpu.memory_space<vmem>>, vector<1x128xf32>
    %add3A = vector.broadcast %get3A_8 : vector<1x128xf32> to vector<1000x128xf32>
    %add3A_9 = arith.addf %dot_general3A_5, %add3A : vector<1000x128xf32>
    %swap3A = arith.constant 0 : index
    %swap3A_10 = arith.constant 0 : index
    %swap3A_11 = vector.load %arg3[%swap3A, %swap3A_10] : memref<1000x128xf32, #tpu.memory_space<vmem>>, vector<1000x128xf32>
    tpu.vector_store %arg3[%swap3A, %swap3A_10], %add3A_9 {strides = array<i32>} : memref<1000x128xf32, #tpu.memory_space<vmem>>, vector<1000x128xf32>,
    return
  }
}

</mosaic_0001>

<sc_bundles>
// kernel: kernel.4.cloned.1.call-start
scs
__scs_entry_jumppad:
0x0: {  	(pc) =	sbr.rel $0x88, $3  }
0x1: {  	(tag) =	ssettag $0x0;
	lr =	simm.s32 $0x1  }
0x2: {  	[smem:$0x3F9D] =	sst lr;
	_ =	strace $0xD0000000  }
0x3: {  	_ = 	snop  }
0x4: {  	_ = 	snop  }
0x5: {  	_ = 	snop  }
0x6: {  	_ = 	snop  }
0x7: {  	_ = 	snop  }
__scs_overlays_trampoline_lowered:
0x8: {  	[smem:$0x3FAC] =	sst s0  }
0x9: {  	[smem:$0x3FAD] =	sst s1  }
0xa: {  	[smem:$0x3FAE] =	sst s2  }
0xb: {  	[smem:$0x3FAF] =	sst s3  }
0xc: {  	[smem:$0x3FB0] =	sst s4  }
0xd: {  	[smem:$0x3FB1] =	sst s5  }
0xe: {  	[smem:$0x3FB2] =	sst s6  }
0xf: {  	[smem:$0x3FB3] =	sst s7  }
0x10: {  	[smem:$0x3FB4] =	sst s8  }
0x11: {  	[smem:$0x3FB5] =	sst s9;
	s0 =	simm.s32 @!p0 $0x0  }
0x12: {  	s1 =	sld [smem:$0x3F9B];
	s0 =	simm.s32 @p0 $0x1  }
0x13: {  	[smem:$0x3FB6] =	sst s0;
	s0 =	simm.s32 @!p1 $0x0  }
0x14: {  	s2 =	sld [smem:$0x3F9A];
	s0 =	simm.s32 @p1 $0x1  }
0x15: {  	[smem:$0x3FB7] =	sst s0;
	s0 =	simm.s32 @!p2 $0x0  }
0x16: {  	s3 =	sld [smem:$0x3FDB];
	s0 =	simm.s32 @p2 $0x1  }
0x17: {  	s4 =	simm.s32 $0x1BF5;
	[smem:$0x3FB9] =	sst s0  }
0x18: {  	s0 =	sld [smem:$0x3F9C];
	_ =	swait.ge [sflag:s4], $0x0  }
0x19: {  	s7 =	sld [smem:$0x3F9D]  }
0x1a: {  	s8 =	sadd.s32 $0xFFFFE003, lr  }
0x1b: {  	s9 =	sadd.s32 $0xFFFFFEF7, lr;
	s5 =	simm.s32 $0xFFFFFFFF;
	p2 =	slt.u32 s8, $0xFFFFF086  }
0x1c: {  	p1 =	slt.u32 s9, $0xF7A;
	s5 =	simm.s32 @!p2 $0x0  }
0x1d: {  	s5 =	simm.s32 @p1 $0x1;
	p0 =	seq.s32 s7, s2  }
0x1e: {  	s7 =	smul.u32 @!p0 $0xF7A, s2;
	p2 =	seq.s32 @!p0 s5, $0x0  }
0x1f: {  	s9 =	smul.u32 $0xF7A, s1;
	s8 =	simm.s32 @!p0 $0x1BF5;
	p2 =	por !p2, p0  }
0x20: {  	[sflag:s8] =	ssyncset.s32 @!p0 $0xFFFFF086;
	s6 =	sadd.s32 @!p0 s3, s7;
	s7 =	simm.s32 @!p0 $0x108  }
0x21: {  	s3 =	sadd.s32 s3, s9;
	s6 =	sadd.s32 @!p0 $0x88, s6;
	s7 =	simm.s32 @p2 $0x1082  }
0x22: {  	[simem:s7], [sflag:s8] =	dma.local @!p0 [hbm:s6], $0xF7A  }
0x23: {  	s9 =	sor.u32 $0xD0000000, s2;
	s6 =	simm.s32 $0x108;
	_ =	swait.ge @!p0 [sflag:s8], $0x0  }
0x24: {  	s3 =	sadd.s32 $0x88, s3;
	s6 =	simm.s32 @!p1 $0x1082;
	[sflag:s4] =	ssyncset.s32 $0xFFFFF086  }
0x25: {  	[simem:s6], [sflag:s4] =	dma.local [hbm:s3], $0xF7A  }
0x26: {  	[smem:$0x3F9D] =	sst s1;
	(tag) =	ssettag s2;
	_ =	strace s9  }
0x27: {  	s1 =	sld [smem:$0x3FAD]  }
0x28: {  	s2 =	sld [smem:$0x3FAE]  }
0x29: {  	s4 =	sld [smem:$0x3FB0]  }
0x2a: {  	p0 =	seq.s32 s5, $0x0;
	s5 =	sld [smem:$0x3FB1]  }
0x2b: {  	s6 =	sld [smem:$0x3FB2]  }
0x2c: {  	s7 =	sld [smem:$0x3FB3]  }
0x2d: {  	s3 =	simm.s32 $0x108;
	s8 =	sld [smem:$0x3FB4]  }
0x2e: {  	s3 =	simm.s32 @!p0 $0x1082;
	s9 =	sld [smem:$0x3FB5]  }
0x2f: {  	lr =	sadd.s32 s0, s3;
	s0 =	sld [smem:$0x3FAC]  }
0x30: {  	s3 =	sld [smem:$0x3FAF]  }
0x31: {  	[smem:$0x3FB8] =	sst s10  }
0x32: {  	s10 =	sld [smem:$0x3FB6];
	_ =	sdelay $0x3  }
0x33: {  	p0 =	seq.s32 s10, $0x1;
	s10 =	sld [smem:$0x3FB8];
	_ =	sdelay $0x3  }
0x34: {  	[smem:$0x3FB8] =	sst s10  }
0x35: {  	s10 =	sld [smem:$0x3FB7];
	_ =	sdelay $0x3  }
0x36: {  	p1 =	seq.s32 s10, $0x1;
	s10 =	sld [smem:$0x3FB8];
	_ =	sdelay $0x3  }
0x37: {  	[smem:$0x3FB8] =	sst s10  }
0x38: {  	s10 =	sld [smem:$0x3FB9]  }
0x39: {  	_ = 	snop;
	(pc) =	sbr.ind lr, $3  }
0x3a: {  	_ = 	snop  }
0x3b: {  	_ = 	snop  }
0x3c: {  	p2 =	seq.s32 s10, $0x1;
	s10 =	sld [smem:$0x3FB8]  }
0x3d: {  	_ =	shalt  }
0x3e: {  	_ =	shalt  }
0x3f: {  	_ =	shalt  }
0x40: {  	_ =	shalt  }
0x41: {  	_ =	shalt  }
0x42: {  	_ =	shalt  }
0x43: {  	_ =	shalt  }
0x44: {  	_ =	shalt  }
0x45: {  	_ =	shalt  }
0x46: {  	_ =	shalt  }
0x47: {  	_ =	shalt  }
0x48: {  	_ =	shalt  }
0x49: {  	_ =	shalt  }
0x4a: {  	_ =	shalt  }
0x4b: {  	_ =	shalt  }
0x4c: {  	_ =	shalt  }
0x4d: {  	_ =	shalt  }
0x4e: {  	_ =	shalt  }
0x4f: {  	_ =	shalt  }
0x50: {  	_ =	shalt  }
0x51: {  	_ =	shalt  }
0x52: {  	_ =	shalt  }
0x53: {  	_ =	shalt  }
0x54: {  	_ =	shalt  }
0x55: {  	_ =	shalt  }
0x56: {  	_ =	shalt  }
0x57: {  	_ =	shalt  }
0x58: {  	_ =	shalt  }
0x59: {  	_ =	shalt  }
0x5a: {  	_ =	shalt  }
0x5b: {  	_ =	shalt  }
0x5c: {  	_ =	shalt  }
0x5d: {  	_ =	shalt  }
0x5e: {  	_ =	shalt  }
0x5f: {  	_ =	shalt  }
0x60: {  	_ =	shalt  }
0x61: {  	_ =	shalt  }
0x62: {  	_ =	shalt  }
0x63: {  	_ =	shalt  }
0x64: {  	_ =	shalt  }
0x65: {  	_ =	shalt  }
0x66: {  	_ =	shalt  }
0x67: {  	_ =	shalt  }
0x68: {  	_ =	shalt  }
0x69: {  	_ =	shalt  }
0x6a: {  	_ =	shalt  }
0x6b: {  	_ =	shalt  }
0x6c: {  	_ =	shalt  }
0x6d: {  	_ =	shalt  }
0x6e: {  	_ =	shalt  }
0x6f: {  	_ =	shalt  }
0x70: {  	_ =	shalt  }
0x71: {  	_ =	shalt  }
0x72: {  	_ =	shalt  }
0x73: {  	_ =	shalt  }
0x74: {  	_ =	shalt  }
0x75: {  	_ =	shalt  }
0x76: {  	_ =	shalt  }
0x77: {  	_ =	shalt  }
0x78: {  	_ =	shalt  }
0x79: {  	_ =	shalt  }
0x7a: {  	_ =	shalt  }
0x7b: {  	_ =	shalt  }
0x7c: {  	_ =	shalt  }
0x7d: {  	_ =	shalt  }
0x7e: {  	_ =	shalt  }
0x7f: {  	_ =	shalt  }
0x80: {  	_ =	shalt  }
0x81: {  	_ =	shalt  }
0x82: {  	_ =	shalt  }
0x83: {  	_ =	shalt  }
0x84: {  	_ =	shalt  }
0x85: {  	_ =	shalt  }
0x86: {  	_ =	shalt  }
0x87: {  	_ =	shalt  }
.Lfunc_end0:
.L_simem_size_0:
called_computation_lowered:
.L_overlay_start_0:
0x88: {  	s2 =	sld [smem:$0x3FD9]  }
0x89: {  	s3 =	sld [smem:$0x3FFE];
	_ =	sdelay $0x1  }
0x8a: {  	s1 =	srdreg.scid  }
0x8b: {  	s0 =	sand.u32 $0x1, s1  }
0x8c: {  	s17 =	sshll.u32 s0, $0xA;
	s2 =	sadd.s32 s3, s2  }
0x8d: {  	s2 =	sadd.s32 s2, s17  }
0x8e: {  	[smem:$0x3FC4] =	sst s2  }
0x8f: {  	_ = 	snop  }
0x90: {  	s2 =	sld [smem:$0x3FC9]  }
0x91: {  	s18 =	sld [smem:$0x3FD0];
	(tm) =	ssettm $0x1  }
0x92: {  	s4 =	sld [smem:$0x3FFB];
	_ =	sdelay $0x3  }
0x93: {  	_ =	strace s4  }
0x94: {  	s4 =	sld [smem:$0x3FFC];
	_ =	sdelay $0x3  }
0x95: {  	_ =	strace s4  }
0x96: {  	s4 =	sld [smem:$0x3FFD];
	_ =	sdelay $0x3  }
0x97: {  	_ =	strace s4  }
0x98: {  	_ =	strace $0x8FFFFFFF  }
0x99: {  	s19 =	sld [smem:$0x3FDB];
	_ =	sdelay $0x1  }
0x9a: {  	s5 =	simm.s32 $_scs_section_size  }
0x9b: {  	s6 =	simm.s32 $_size__tile_overlayer_lowered;
	s7 =	simm.s32 $_tile_overlayer_lowered  }
0x9c: {  	s22 =	simm.s32 $0x1BFF;
	s21 =	sshll.u32 s7, $0x1;
	s4 =	sadd.s32 s5, s19  }
0x9d: {  	s8 =	simm.s32 $0x0;
	s20 =	sshll.u32 s6, $0x1;
	s6 =	sadd.s32 s21, s4  }
0x9e: {  	[timem:s8], [sflag:s22] =	dma.local [hbm:s6], s20  }
0x9f: {  	_ =	swait.ge [sflag:s22], s20  }
0xa0: {  	s5 =	ssub.s32 $0x0, s20;
	[sflag:s22] =	ssyncset.done $0x0  }
0xa1: {  	[sflag:s22] =	ssyncadd.s32 s5;
	_ =	sdelay $0x1  }
0xa2: {  	s23 =	simm.s32 $0x1B8B  }
0xa3: {  	_ =	swait.ge [sflag:s23], $0x1  }
0xa4: {  	[sflag:s23] =	ssyncset.done $0x0  }
0xa5: {  	s25 =	simm.s32 $0x1B8E;
	s24 =	sld [smem:$0x3FFE];
	[sflag:s23] =	ssyncadd.s32 $0xFFFFFFFF  }
0xa6: {  	s26 =	simm.s32 $execute0_lowered;
	[smem:$0x3FD2] =	sst s25  }
0xa7: {  	s6 =	sshll.u32 s26, $0x1;
	_ =	strace $0x80000046;
	[dreg:$0x1] =	wrdreg $0xFFFFFFFF  }
0xa8: {  	s28 =	simm.s32 $_size_execute0_lowered;
	s4 =	sadd.s32 s4, s6;
	[dreg:$0x0] =	wrdreg $0x0  }
0xa9: {  	s6 =	sshll.u32 s28, $0x1;
	[dreg:$0x2] =	wrdreg s4  }
0xaa: {  	[dreg:$0x3] =	wrdreg s6  }
0xab: {  	[dreg:$0x4] =	wrdreg $0xC0  }
0xac: {  	_ =	task [dreg:s8], $0x5FFFF  }
0xad: {  	[dreg:$0x1] =	wrdreg $0xFFFFFFFF  }
0xae: {  	[dreg:$0x0] =	wrdreg $0x60  }
0xaf: {  	[dreg:$0x2] =	wrdreg s2  }
0xb0: {  	[dreg:$0x3] =	wrdreg s24  }
0xb1: {  	[dreg:$0x4] =	wrdreg s18  }
0xb2: {  	[dreg:$0x5] =	wrdreg $0x184000  }
0xb3: {  	[dreg:$0x6] =	wrdreg $0x9  }
0xb4: {  	_ =	task.clear_ibuf [dreg:s8], $0x7FFFF;
	_ =	strace $0x90000046  }
0xb5: {  	s29 =	simm.s32 $0x9;
	_ =	strace $0x80000048  }
0xb6: {  	_ =	swait.ge [sflag:s29], $0x1  }
0xb7: {  	[sflag:s29] =	ssyncadd.s32 $0xFFFFFFFF  }
0xb8: {  	_ =	strace $0x90000048  }
0xb9: {  	_ =	sfence  }
0xba: {  	s30 =	sld [smem:$0x0];
	_ =	sdelay $0x2  }
0xbb: {  	s31 =	sshll.u32 s1, $0xD;
	s1 =	sshrl.u32 s1, $0x2  }
0xbc: {  	s3 =	sand.u32 $0x4000, s31;
	s1 =	sadd.s32 s1, s30  }
0xbd: {  	s0 =	sor.u32 s3, s0;
	s1 =	sshll.u32 s1, $0x11  }
0xbe: {  	s0 =	sor.u32 s1, s0  }
0xbf: {  	s0 =	sadd.s32 $0x8F2B, s0  }
0xc0: {  	[sflag:s0] =	ssyncadd.remote.s32 $0x1  }
0xc1: {  	_ =	sfence.sel $0xFFFF  }
0xc2: {  	[dreg:$0x0] =	wrdreg $0xFFFFFFFF;
	(pc) =	sbr.abs _section_cstart, $3  }
0xc3: {  	[dreg:$0x1] =	wrdreg $0xFFFFFFFF  }
0xc4: {  	_ =	task.clear_ibuf [dreg:s8], $0x2FFFF;
	_ =	strace $0x9FFFFFFF  }
0xc5: {  	(tm) =	ssettm $0x7FFFFFFF  }
tec
execute0_lowered:
.L_overlay_start_1:
0x0: {  	(tag) =	ssettag $0x1  }
0x1: {  	s4 =	rddreg [dreg:$0x0]  }
0x2: {  	s1 =	rddreg [dreg:$0x1]  }
0x3: {  	s5 =	rddreg [dreg:$0x2]  }
0x4: {  	s0 =	stileid.u32;
	s2 =	rddreg [dreg:$0x3]  }
0x5: {  	s3 =	simm.s32 $0x0;
	s12 =	srdreg.scid;
	s6 =	sshll.u32 s0, $0x6  }
0x6: {  	s25 =	simm.s32 $0x100;
	[smem:$0x7FF] =	sst s3;
	s7 =	smin.u32 s6, $0x3A8  }
0x7: {  	_ =	strace $0x80000047;
	s6 =	sor.u32 $0x1C01, s6;
	[dreg:$0x10] =	wrdreg s25  }
0x8: {  	s9 =	sshll.u32 s0, $0x1;
	s8 =	sshll.u32 s7, $0x4;
	[dreg:$0x6] =	wrdreg s6  }
0x9: {  	s18 =	sshll.u32 s7, $0x7;
	s8 =	sadd.s32 s8, s1;
	s1 =	sand.u32 $0x1, s12  }
0xa: {  	s6 =	sadd.s32 s18, s2;
	s22 =	rddreg [dreg:$0x6];
	s8 =	sadd.s32 $0xC00, s8  }
0xb: {  	s9 =	sor.u32 s1, s9;
	s21 =	sshrl.u32 s6, $0x3;
	[dreg:$0x5] =	wrdreg s8  }
0xc: {  	s13 =	sshll.u32 s9, $0x7;
	s9 =	sshll.u32 s9, $0xE;
	[dreg:$0xf] =	wrdreg s21  }
0xd: {  	s14 =	sadd.s32 s4, s13;
	s4 =	sadd.s32 s5, s9;
	s24 =	rddreg [dreg:$0x5]  }
0xe: {  	[dreg:$0x7] =	wrdreg s14;
	s5 =	sadd.s32 $0x80, s4  }
0xf: {  	s15 =	sadd.s32 $0x1000, s4;
	[dreg:$0x8] =	wrdreg s5  }
0x10: {  	s16 =	sadd.s32 $0x1080, s4;
	[dreg:$0x9] =	wrdreg s15  }
0x11: {  	s17 =	sadd.s32 $0x2000, s4;
	[dreg:$0xa] =	wrdreg s16  }
0x12: {  	s19 =	sadd.s32 $0x2080, s4;
	[dreg:$0xb] =	wrdreg s17  }
0x13: {  	s20 =	sadd.s32 $0x3000, s4;
	[dreg:$0xc] =	wrdreg s19  }
0x14: {  	[dreg:$0xd] =	wrdreg s20  }
0x15: {  	s23 =	sadd.s32 $0x3080, s4;
	s5 =	rddreg [dreg:$0xf]  }
0x16: {  	[dreg:$0xe] =	wrdreg s23  }
0x17: {  	[spmem:s5], [sflag:s22] =	dma.local [hbm:s24], $0x400  }
0x18: {  	s5 =	simm.s32 $0xD;
	s6 =	rddreg [dreg:$0x7]  }
0x19: {  	[tilespmem:s3], [sflag:$0xD] =	stream.linear.gather [hbm4b:s6+s3], $0x400, $0x38;
	[tilespmem:$0x1A340] =	vst v63  }
0x1a: {  	_ =	swait.ge [sflag:s5], $0x400  }
0x1b: {  	[sflag:s5] =	ssyncset.done $0x0  }
0x1c: {  	s6 =	simm.s32 $0x1;
	[sflag:s5] =	ssyncadd.s32 $0xFFFFFC00  }
0x1d: {  	_ =	swait.ge [sflag:s6], $0x400  }
0x1e: {  	[sflag:s6] =	ssyncset.done $0x0  }
0x1f: {  	[sflag:s6] =	ssyncadd.s32 $0xFFFFFC00  }
0x20: {  	s7 =	simm.s32 $0x80;
	s8 =	simm.s32 $0x400;
	[bflag:$0x0] =	sbarrier.arrive $0xFFFF  }
0x21: {  	[tilespmem:s8], [sflag:$0x1] =	stream.indirect.gather [spmem:s2], $0x80, s3, s7, $0xb8;
	[tilespmem:$0x1A340] =	vst v63  }
0x22: {  	s9 =	simm.s32 $0x4400  }
0x23: {  	[tilespmem:s9], [sflag:$0x2] =	stream.indirect.gather [spmem:s2], $0x80, s7, s7, $0xb8;
	[tilespmem:$0x1A340] =	vst v63  }
0x24: {  	s10 =	simm.s32 $0x8400;
	s11 =	rddreg [dreg:$0x10]  }
0x25: {  	[tilespmem:s10], [sflag:$0x3] =	stream.indirect.gather [spmem:s2], $0x80, s11, s7, $0xb8;
	[tilespmem:$0x1A340] =	vst v63  }
0x26: {  	s26 =	simm.s32 $0x180;
	s12 =	simm.s32 $0xC400  }
0x27: {  	[tilespmem:s12], [sflag:$0x4] =	stream.indirect.gather [spmem:s2], $0x80, s26, s7, $0xb8;
	[tilespmem:$0x1A340] =	vst v63  }
0x28: {  	_ =	swait.ge [sflag:s6], $0x4000  }
0x29: {  	[sflag:s6] =	ssyncset.done $0x0  }
0x2a: {  	s13 =	simm.s32 $0x800;
	[sflag:s6] =	ssyncadd.s32 $0xFFFFC000  }
0x2b: {  	[hbm4b:s4+s8] =	stream.strided.scatter [tilespmem:s8], [sflag:$0x7], $0x4000, s13, s8, $0x38;
	[tilespmem:$0x1A340] =	vst v63  }
0x2c: {  	s15 =	simm.s32 $0x10400;
	s16 =	simm.s32 $0x2;
	s11 =	simm.s32 $0x200  }
0x2d: {  	[tilespmem:s15], [sflag:$0x5] =	stream.indirect.gather [spmem:s2], $0x80, s11, s7, $0xb8;
	[tilespmem:$0x1A340] =	vst v63  }
0x2e: {  	_ =	swait.ge [sflag:s16], $0x4000  }
0x2f: {  	[sflag:s16] =	ssyncset.done $0x0  }
0x30: {  	s17 =	rddreg [dreg:$0x8];
	[sflag:s16] =	ssyncadd.s32 $0xFFFFC000  }
0x31: {  	[hbm4b:s17+s8] =	stream.strided.scatter [tilespmem:s9], [sflag:$0x8], $0x4000, s13, s8, $0x38;
	[tilespmem:$0x1A340] =	vst v63  }
0x32: {  	s18 =	simm.s32 $0x14400;
	s19 =	simm.s32 $0x3;
	s17 =	simm.s32 $0x280  }
0x33: {  	[tilespmem:s18], [sflag:$0x6] =	stream.indirect.gather [spmem:s2], $0x80, s17, s7, $0xb8;
	[tilespmem:$0x1A340] =	vst v63  }
0x34: {  	_ =	swait.ge [sflag:s19], $0x4000  }
0x35: {  	[sflag:s19] =	ssyncset.done $0x0  }
0x36: {  	s20 =	simm.s32 $0x7;
	s21 =	rddreg [dreg:$0x9];
	[sflag:s19] =	ssyncadd.s32 $0xFFFFC000  }
0x37: {  	[hbm4b:s21+s8] =	stream.strided.scatter [tilespmem:s10], [sflag:$0x9], $0x4000, s13, s8, $0x38;
	[tilespmem:$0x1A340] =	vst v63  }
0x38: {  	_ =	swait.ge [sflag:s20], $0x4000  }
0x39: {  	[sflag:s20] =	ssyncset.done $0x0  }
0x3a: {  	s22 =	simm.s32 $0x4;
	s21 =	simm.s32 $0x300;
	[sflag:s20] =	ssyncadd.s32 $0xFFFFC000  }
0x3b: {  	[tilespmem:s8], [sflag:$0x1] =	stream.indirect.gather [spmem:s2], $0x80, s21, s7, $0xb8;
	[tilespmem:$0x1A340] =	vst v63  }
0x3c: {  	_ =	swait.ge [sflag:s22], $0x4000  }
0x3d: {  	[sflag:s22] =	ssyncset.done $0x0  }
0x3e: {  	s23 =	simm.s32 $0x8;
	s24 =	rddreg [dreg:$0xa];
	[sflag:s22] =	ssyncadd.s32 $0xFFFFC000  }
0x3f: {  	[hbm4b:s24+s8] =	stream.strided.scatter [tilespmem:s12], [sflag:$0xA], $0x4000, s13, s8, $0x38;
	[tilespmem:$0x1A340] =	vst v63  }
0x40: {  	_ =	swait.ge [sflag:s23], $0x4000  }
0x41: {  	[sflag:s23] =	ssyncset.done $0x0  }
0x42: {  	s25 =	simm.s32 $0x5;
	s24 =	simm.s32 $0x380;
	[sflag:s23] =	ssyncadd.s32 $0xFFFFC000  }
0x43: {  	[tilespmem:s9], [sflag:$0x2] =	stream.indirect.gather [spmem:s2], $0x80, s24, s7, $0xb8;
	[tilespmem:$0x1A340] =	vst v63  }
0x44: {  	_ =	swait.ge [sflag:s25], $0x4000  }
0x45: {  	[sflag:s25] =	ssyncset.done $0x0  }
0x46: {  	s26 =	rddreg [dreg:$0xb];
	[sflag:s25] =	ssyncadd.s32 $0xFFFFC000  }
0x47: {  	[hbm4b:s26+s8] =	stream.strided.scatter [tilespmem:s15], [sflag:$0xB], $0x4000, s13, s8, $0x38;
	[tilespmem:$0x1A340] =	vst v63  }
0x48: {  	s26 =	simm.s32 $0x6  }
0x49: {  	_ =	swait.ge [sflag:s26], $0x4000  }
0x4a: {  	[sflag:s26] =	ssyncset.done $0x0  }
0x4b: {  	s28 =	rddreg [dreg:$0xc];
	[sflag:s26] =	ssyncadd.s32 $0xFFFFC000  }
0x4c: {  	[hbm4b:s28+s8] =	stream.strided.scatter [tilespmem:s18], [sflag:$0xC], $0x4000, s13, s8, $0x38;
	[tilespmem:$0x1A340] =	vst v63  }
0x4d: {  	_ =	swait.ge [sflag:s6], $0x4000  }
0x4e: {  	[sflag:s6] =	ssyncset.done $0x0  }
0x4f: {  	s28 =	rddreg [dreg:$0xd];
	[sflag:s6] =	ssyncadd.s32 $0xFFFFC000  }
0x50: {  	[hbm4b:s28+s8] =	stream.strided.scatter [tilespmem:s8], [sflag:$0x7], $0x4000, s13, s8, $0x38;
	[tilespmem:$0x1A340] =	vst v63  }
0x51: {  	_ =	swait.ge [sflag:s16], $0x4000  }
0x52: {  	[sflag:s16] =	ssyncset.done $0x0  }
0x53: {  	s28 =	rddreg [dreg:$0xe];
	[sflag:s16] =	ssyncadd.s32 $0xFFFFC000  }
0x54: {  	[hbm4b:s28+s8] =	stream.strided.scatter [tilespmem:s9], [sflag:$0x8], $0x4000, s13, s8, $0x38;
	[tilespmem:$0x1A340] =	vst v63  }
0x55: {  	s28 =	simm.s32 $0x9  }
0x56: {  	_ =	swait.ge [sflag:s28], $0x4000  }
0x57: {  	[sflag:s28] =	ssyncset.done $0x0  }
0x58: {  	s29 =	simm.s32 $0xA;
	[sflag:s28] =	ssyncadd.s32 $0xFFFFC000  }
0x59: {  	_ =	swait.ge [sflag:s29], $0x4000  }
0x5a: {  	[sflag:s29] =	ssyncset.done $0x0  }
0x5b: {  	s30 =	simm.s32 $0xB;
	[sflag:s29] =	ssyncadd.s32 $0xFFFFC000  }
0x5c: {  	s1 =	ssub.s32 $0x2, s1;
	_ =	swait.ge [sflag:s30], $0x4000  }
0x5d: {  	s14 =	sshrl.u32 s1, $0x1;
	[sflag:s30] =	ssyncset.done $0x0  }
0x5e: {  	s31 =	simm.s32 $0xC;
	s0 =	ssub.s32 s1, s14;
	[sflag:s30] =	ssyncadd.s32 $0xFFFFC000  }
0x5f: {  	s0 =	smax.u32 s0, $0x1;
	_ =	swait.ge [sflag:s31], $0x4000  }
0x60: {  	p0 =	sne.s32 s0, $0x1;
	[sflag:s31] =	ssyncset.done $0x0  }
.Ltmp0:
0x61: {  	[sflag:s31] =	ssyncadd.s32 $0xFFFFC000;
	(pc) =	sbr.rel @!p0 .LBB2_2-.Ltmp0, $4  }
0x62: {  	_ =	swait.ge [sflag:s20], $0x4000  }
0x63: {  	[sflag:s20] =	ssyncset.done $0x0  }
0x64: {  	[sflag:s20] =	ssyncadd.s32 $0xFFFFC000  }
0x65: {  	s1 =	sadd.s32 $0xFFFFFFFF, s0;
	_ =	swait.ge [sflag:s23], $0x4000  }
.LBB2_1:
0x66: {  	s0 =	rddreg [dreg:$0xf]  }
0x67: {  	[sflag:s23] =	ssyncset.done $0x0;
	s11 =	rddreg [dreg:$0x6]  }
0x68: {  	s14 =	rddreg [dreg:$0x5];
	[sflag:s23] =	ssyncadd.s32 $0xFFFFC000  }
0x69: {  	[spmem:s0], [sflag:s11] =	dma.local [hbm:s14], $0x400  }
0x6a: {  	s0 =	rddreg [dreg:$0x7]  }
0x6b: {  	[tilespmem:s3], [sflag:$0xD] =	stream.linear.gather [hbm4b:s0+s3], $0x400, $0x38;
	[tilespmem:$0x1A340] =	vst v63  }
0x6c: {  	_ =	swait.ge [sflag:s5], $0x400  }
0x6d: {  	[sflag:s5] =	ssyncset.done $0x0  }
0x6e: {  	[sflag:s5] =	ssyncadd.s32 $0xFFFFFC00  }
0x6f: {  	_ =	swait.ge [sflag:s6], $0x400  }
0x70: {  	[sflag:s6] =	ssyncset.done $0x0  }
0x71: {  	[sflag:s6] =	ssyncadd.s32 $0xFFFFFC00  }
0x72: {  	[bflag:$0x0] =	sbarrier.arrive $0xFFFF  }
0x73: {  	[tilespmem:s8], [sflag:$0x1] =	stream.indirect.gather [spmem:s2], $0x80, s3, s7, $0xb8;
	[tilespmem:$0x1A340] =	vst v63  }
0x74: {  	_ = 	snop  }
0x75: {  	[tilespmem:s9], [sflag:$0x2] =	stream.indirect.gather [spmem:s2], $0x80, s7, s7, $0xb8;
	[tilespmem:$0x1A340] =	vst v63  }
0x76: {  	s11 =	rddreg [dreg:$0x10]  }
0x77: {  	[tilespmem:s10], [sflag:$0x3] =	stream.indirect.gather [spmem:s2], $0x80, s11, s7, $0xb8;
	[tilespmem:$0x1A340] =	vst v63  }
0x78: {  	s14 =	simm.s32 $0x180  }
0x79: {  	[tilespmem:s12], [sflag:$0x4] =	stream.indirect.gather [spmem:s2], $0x80, s14, s7, $0xb8;
	[tilespmem:$0x1A340] =	vst v63  }
0x7a: {  	_ =	swait.ge [sflag:s6], $0x4000  }
0x7b: {  	[sflag:s6] =	ssyncset.done $0x0  }
0x7c: {  	[sflag:s6] =	ssyncadd.s32 $0xFFFFC000  }
0x7d: {  	[hbm4b:s4+s8] =	stream.strided.scatter [tilespmem:s8], [sflag:$0x7], $0x4000, s13, s8, $0x38;
	[tilespmem:$0x1A340] =	vst v63  }
0x7e: {  	s11 =	simm.s32 $0x200  }
0x7f: {  	[tilespmem:s15], [sflag:$0x5] =	stream.indirect.gather [spmem:s2], $0x80, s11, s7, $0xb8;
	[tilespmem:$0x1A340] =	vst v63  }
0x80: {  	_ =	swait.ge [sflag:s16], $0x4000  }
0x81: {  	[sflag:s16] =	ssyncset.done $0x0  }
0x82: {  	s14 =	rddreg [dreg:$0x8];
	[sflag:s16] =	ssyncadd.s32 $0xFFFFC000  }
0x83: {  	[hbm4b:s14+s8] =	stream.strided.scatter [tilespmem:s9], [sflag:$0x8], $0x4000, s13, s8, $0x38;
	[tilespmem:$0x1A340] =	vst v63  }
0x84: {  	_ = 	snop  }
0x85: {  	[tilespmem:s18], [sflag:$0x6] =	stream.indirect.gather [spmem:s2], $0x80, s17, s7, $0xb8;
	[tilespmem:$0x1A340] =	vst v63  }
0x86: {  	_ =	swait.ge [sflag:s19], $0x4000  }
0x87: {  	[sflag:s19] =	ssyncset.done $0x0  }
0x88: {  	s11 =	rddreg [dreg:$0x9];
	[sflag:s19] =	ssyncadd.s32 $0xFFFFC000  }
0x89: {  	[hbm4b:s11+s8] =	stream.strided.scatter [tilespmem:s10], [sflag:$0x9], $0x4000, s13, s8, $0x38;
	[tilespmem:$0x1A340] =	vst v63  }
0x8a: {  	_ =	swait.ge [sflag:s20], $0x4000  }
0x8b: {  	[sflag:s20] =	ssyncset.done $0x0  }
0x8c: {  	[sflag:s20] =	ssyncadd.s32 $0xFFFFC000  }
0x8d: {  	[tilespmem:s8], [sflag:$0x1] =	stream.indirect.gather [spmem:s2], $0x80, s21, s7, $0xb8;
	[tilespmem:$0x1A340] =	vst v63  }
0x8e: {  	_ =	swait.ge [sflag:s22], $0x4000  }
0x8f: {  	[sflag:s22] =	ssyncset.done $0x0  }
0x90: {  	s14 =	rddreg [dreg:$0xa];
	[sflag:s22] =	ssyncadd.s32 $0xFFFFC000  }
0x91: {  	[hbm4b:s14+s8] =	stream.strided.scatter [tilespmem:s12], [sflag:$0xA], $0x4000, s13, s8, $0x38;
	[tilespmem:$0x1A340] =	vst v63  }
0x92: {  	_ =	swait.ge [sflag:s23], $0x4000  }
0x93: {  	[sflag:s23] =	ssyncset.done $0x0  }
0x94: {  	[sflag:s23] =	ssyncadd.s32 $0xFFFFC000  }
0x95: {  	[tilespmem:s9], [sflag:$0x2] =	stream.indirect.gather [spmem:s2], $0x80, s24, s7, $0xb8;
	[tilespmem:$0x1A340] =	vst v63  }
0x96: {  	_ =	swait.ge [sflag:s25], $0x4000  }
0x97: {  	[sflag:s25] =	ssyncset.done $0x0  }
0x98: {  	s11 =	rddreg [dreg:$0xb];
	[sflag:s25] =	ssyncadd.s32 $0xFFFFC000  }
0x99: {  	[hbm4b:s11+s8] =	stream.strided.scatter [tilespmem:s15], [sflag:$0xB], $0x4000, s13, s8, $0x38;
	[tilespmem:$0x1A340] =	vst v63  }
0x9a: {  	_ =	swait.ge [sflag:s26], $0x4000  }
0x9b: {  	[sflag:s26] =	ssyncset.done $0x0  }
0x9c: {  	s14 =	rddreg [dreg:$0xc];
	[sflag:s26] =	ssyncadd.s32 $0xFFFFC000  }
0x9d: {  	[hbm4b:s14+s8] =	stream.strided.scatter [tilespmem:s18], [sflag:$0xC], $0x4000, s13, s8, $0x38;
	[tilespmem:$0x1A340] =	vst v63  }
0x9e: {  	_ =	swait.ge [sflag:s6], $0x4000  }
0x9f: {  	[sflag:s6] =	ssyncset.done $0x0  }
0xa0: {  	s11 =	rddreg [dreg:$0xd];
	[sflag:s6] =	ssyncadd.s32 $0xFFFFC000  }
0xa1: {  	[hbm4b:s11+s8] =	stream.strided.scatter [tilespmem:s8], [sflag:$0x7], $0x4000, s13, s8, $0x38;
	[tilespmem:$0x1A340] =	vst v63  }
0xa2: {  	_ =	swait.ge [sflag:s16], $0x4000  }
0xa3: {  	[sflag:s16] =	ssyncset.done $0x0  }
0xa4: {  	s14 =	rddreg [dreg:$0xe];
	[sflag:s16] =	ssyncadd.s32 $0xFFFFC000  }
0xa5: {  	[hbm4b:s14+s8] =	stream.strided.scatter [tilespmem:s9], [sflag:$0x8], $0x4000, s13, s8, $0x38;
	[tilespmem:$0x1A340] =	vst v63  }
0xa6: {  	_ =	swait.ge [sflag:s28], $0x4000  }
0xa7: {  	[sflag:s28] =	ssyncset.done $0x0  }
0xa8: {  	[sflag:s28] =	ssyncadd.s32 $0xFFFFC000  }
0xa9: {  	_ =	swait.ge [sflag:s29], $0x4000  }
0xaa: {  	[sflag:s29] =	ssyncset.done $0x0  }
0xab: {  	[sflag:s29] =	ssyncadd.s32 $0xFFFFC000  }
0xac: {  	_ =	swait.ge [sflag:s30], $0x4000  }
0xad: {  	[sflag:s30] =	ssyncset.done $0x0  }
0xae: {  	[sflag:s30] =	ssyncadd.s32 $0xFFFFC000  }
0xaf: {  	_ =	swait.ge [sflag:s31], $0x4000  }
0xb0: {  	p0 =	sne.s32 s1, $0x1;
	[sflag:s31] =	ssyncset.done $0x0  }
.Ltmp1:
0xb1: {  	[sflag:s31] =	ssyncadd.s32 $0xFFFFC000;
	(pc) =	sbr.rel @p0 .LBB2_1-.Ltmp1, $4  }
0xb2: {  	_ =	swait.ge [sflag:s20], $0x4000  }
0xb3: {  	[sflag:s20] =	ssyncset.done $0x0  }
0xb4: {  	[sflag:s20] =	ssyncadd.s32 $0xFFFFC000  }
0xb5: {  	s1 =	sadd.s32 $0xFFFFFFFF, s1;
	_ =	swait.ge [sflag:s23], $0x4000  }
.LBB2_2:
0xb6: {  	[sflag:s23] =	ssyncset.done $0x0  }
0xb7: {  	[sflag:s23] =	ssyncadd.s32 $0xFFFFC000  }
0xb8: {  	_ =	sfence.sel $0x180000  }
0xb9: {  	[bflag:$0x0] =	sbarrier.arrive $0xFFFF  }
0xba: {  	_ =	strace $0x90000047  }
0xbb: {  	s0 =	stileid.u32;
	[bflag:$0x2] =	sbarrier.arrive $0xFFFF  }
0xbc: {  	p0 =	sne.s32 s0, $0x0;
	s0 =	rddreg [dreg:$0x4]  }
0xbd: {  	s0 =	sadd.s32 @!p0 $0x100000, s0  }
0xbe: {  	[sflag:s0] =	ssyncadd.tile.s32 @!p0 $0x1;
	_ =	shalt  }
.Lfunc_end2:
_tile_overlayer_lowered:
.L_overlay_start_2:
0xbf: {  	(tag) =	ssettag $0x2  }
0xc0: {  	s0 =	rddreg [dreg:$0x0];
	s2 =	stileid.u32  }
0xc1: {  	s1 =	rddreg [dreg:$0x1];
	p0 =	sne.s32 s2, $0x0  }
0xc2: {  	s3 =	rddreg [dreg:$0x2];
	[bflag:$0x3] =	sbarrier.arrive $0xFFFF;
	s2 =	simm.s32 @!p0 $0x1C0D  }
0xc3: {  	[timem:s3], [sflag:s2] =	dma.local @!p0 [hbm:s0], s1  }
0xc4: {  	s0 =	simm.s32 @!p0 $0xD  }
0xc5: {  	_ =	swait.ge @!p0 [sflag:s0], s1  }
0xc6: {  	s1 =	ssub.s32 @!p0 $0x0, s1;
	[sflag:s0] =	ssyncset.done @!p0 $0x0  }
0xc7: {  	[sflag:s0] =	ssyncadd.s32 @!p0 s1  }
0xc8: {  	[bflag:$0x3] =	sbarrier.arrive $0xFFFF  }
0xc9: {  	_ =	shalt  }

</sc_bundles>
